<compile_context>
chip_gen: v7x
topology: tpu7x:2x2x1
jax: 0.10.2.dev20260603
libtpu: 0.0.44.dev20260713+nightly
codegen_flags: <defaults>
</compile_context>

<pallas_src>
import functools

import jax
import jax.numpy as jnp
from jax import lax
from jax.experimental import pallas as pl
from jax.experimental.pallas import tpu as pltpu
from jax.experimental.pallas import tpu_sc as plsc

NC = 2
NS = 16
NW = NC * NS
G = 128
NBUF = 5
ROW = 128
TCB = 2048


def _tc_format_body(in_ref, out_ref):
    d = in_ref.shape[0]
    iden = jnp.eye(d, dtype=jnp.float32)
    out_ref[:, 0:d] = jax.lax.dot_general(
        in_ref[...],
        iden,
        (((0,), (0,)), ((), ())),
        preferred_element_type=jnp.float32,
        precision=jax.lax.Precision.HIGHEST,
    )


def _format_table(V: int, D: int):
    return pl.pallas_call(
        _tc_format_body,
        grid=(pl.cdiv(V, TCB),),
        in_specs=[pl.BlockSpec((D, TCB), lambda i: (0, i))],
        out_specs=pl.BlockSpec((TCB, ROW), lambda i: (i, 0)),
        out_shape=jax.ShapeDtypeStruct((V, ROW), jnp.float32),
    )


def _make_gather(n_g: int, D: int):
    assert n_g % NBUF == 0
    n_outer = n_g // NBUF
    mesh = plsc.VectorSubcoreMesh(core_axis_name="c", subcore_axis_name="s")

    @functools.partial(
        pl.kernel,
        mesh=mesh,
        out_type=jax.ShapeDtypeStruct((NW * n_g * G, D), jnp.float32),
        scratch_types=(
            [pltpu.VMEM((n_g * G,), jnp.int32)]
            + [pltpu.VMEM((G, ROW), jnp.float32) for _ in range(NBUF)]
            + [pltpu.SemaphoreType.DMA for _ in range(NBUF)]
        ),
        compiler_params=pltpu.CompilerParams(use_tc_tiling_on_sc=False),
    )
    def gather_kernel(keys_hbm, idx_hbm, out_hbm, idx_v, *bufs_and_sems):
        bufs = bufs_and_sems[:NBUF]
        gsems = bufs_and_sems[NBUF:]
        wid = lax.axis_index("s") * NC + lax.axis_index("c")
        pltpu.sync_copy(idx_hbm.at[pl.ds(wid * n_g * G, n_g * G)], idx_v)
        base = wid * n_g * G

        for b in range(NBUF):
            pltpu.async_copy(
                keys_hbm.at[idx_v.at[pl.ds(b * G, G)]], bufs[b], gsems[b]
            )

        def outer(o, carry):
            for b in range(NBUF):
                g = o * NBUF + b
                pltpu.make_async_copy(
                    keys_hbm.at[idx_v.at[pl.ds(g * G, G)]], bufs[b], gsems[b]
                ).wait()
                pltpu.sync_copy(
                    bufs[b].at[:, pl.ds(0, D)],
                    out_hbm.at[pl.ds(base + g * G, G)],
                )

                @pl.when(o < n_outer - 1)
                def _():
                    pltpu.async_copy(
                        keys_hbm.at[idx_v.at[pl.ds((g + NBUF) * G, G)]],
                        bufs[b],
                        gsems[b],
                    )

            return carry

        lax.fori_loop(0, n_outer, outer, 0)

    return gather_kernel


def kernel(uids, keys):
    B, H = uids.shape
    V, D = keys.shape
    T = B * H
    assert T % (NW * G) == 0
    n_g = T // (NW * G)
    keys_p = _format_table(V, D)(keys.T)
    idx = uids.reshape(T)
    out = _make_gather(n_g, D)(keys_p, idx)
    return out.reshape(B, H, D)

# --- scband reference (transcript-rebuilt; emitter-appended) ---
"""Pipeline reference for scband-pkmkeys-31860067401984 (READ-ONLY COPY).

The authoritative reference and input builder live on the scoring server;
editing this copy changes nothing except your own understanding.
"""

import jax, jax.numpy as jnp
import numpy as np

N_UIDS = 1000000
KEY_DIM = 64
BATCH = 4096
HIST = 50


def setup_inputs(seed: int = 0) -> dict:
    key = jax.random.key(seed)
    k1, k2 = jax.random.split(key)
    uids = jax.random.randint(k1, (BATCH, HIST), 0, N_UIDS, dtype=jnp.int32)
    # PKMKeys lazily grows its key table to max_uid + 10 rows of uniform random
    # values; we materialize the fully-grown table up front (covers all uids).
    keys = jax.random.uniform(k2, (N_UIDS + 10, KEY_DIM), dtype=jnp.float32)
    return {"uids": uids, "keys": keys}


def reference(uids, keys):
    # Equivalent of self._keys[uids]: gather key vectors per uid.
    return jnp.take(keys, uids, axis=0)

if __name__ == "__main__":
    import jax
    _d = setup_inputs()
    print(jax.jit(kernel)(*tuple(_d.values())))

</pallas_src>

<mosaic_0001>
#map = affine_map<(d0, d1) -> (0, 0)>
#map1 = affine_map<(d0, d1) -> (0)>
module attributes {stable_mosaic.version = 14 : i64} {
  func.func @gather_kernel(%arg0: i32, %arg1: i32, %arg2: memref<1000010x128xf32, #tpu.memory_space<hbm>>, %arg3: memref<204800xi32, #tpu.memory_space<hbm>>, %arg4: memref<204800x64xf32, #tpu.memory_space<hbm>>, %arg5: memref<6400xi32, #tpu.memory_space<vmem>>, %arg6: memref<128x128xf32, #tpu.memory_space<vmem>>, %arg7: memref<128x128xf32, #tpu.memory_space<vmem>>, %arg8: memref<128x128xf32, #tpu.memory_space<vmem>>, %arg9: memref<128x128xf32, #tpu.memory_space<vmem>>, %arg10: memref<128x128xf32, #tpu.memory_space<vmem>>, %arg11: memref<!tpu.dma_semaphore, #tpu.memory_space<semaphore_mem>>, %arg12: memref<!tpu.dma_semaphore, #tpu.memory_space<semaphore_mem>>, %arg13: memref<!tpu.dma_semaphore, #tpu.memory_space<semaphore_mem>>, %arg14: memref<!tpu.dma_semaphore, #tpu.memory_space<semaphore_mem>>, %arg15: memref<!tpu.dma_semaphore, #tpu.memory_space<semaphore_mem>>) attributes {dimension_semantics = [#tpu.dimension_semantics<core_parallel>, #tpu.dimension_semantics<subcore_parallel>], iteration_bounds = array<i64: 2, 16>, scalar_prefetch = 0 : i64, scratch_operands = 11 : i64, tpu.core_type = #tpu.core_type<sc_vector_subcore>, window_params = [{transform_indices = #map}, {transform_indices = #map1}, {transform_indices = #map}]} {
    %mul3A = arith.constant 2 : i32
    %mul3A_0 = arith.muli %arg1, %mul3A : i32
    %add3A = arith.addi %mul3A_0, %arg0 : i32
    %mul3A_1 = arith.constant 50 : i32
    %mul3A_2 = arith.muli %add3A, %mul3A_1 : i32
    %mul3A_3 = arith.constant 128 : i32
    %mul3A_4 = arith.muli %mul3A_2, %mul3A_3 : i32
    "tpu.region"() ({
      %run_scoped3A = tpu.sem_alloc : memref<!tpu.dma_semaphore, #tpu.memory_space<semaphore_mem>>
      %dma_start3A_38 = tpu.memref_slice %arg3[%mul3A_4] : memref<204800xi32, #tpu.memory_space<hbm>> -> memref<6400xi32, #tpu.memory_space<hbm>>
      %dma_start3A_39 = tpu.memref_slice %arg3[%mul3A_4] : memref<204800xi32, #tpu.memory_space<hbm>> -> memref<6400xi32, #tpu.memory_space<hbm>>
      tpu.enqueue_dma source(%dma_start3A_39 : memref<6400xi32, #tpu.memory_space<hbm>>) target(%arg5 : memref<6400xi32, #tpu.memory_space<vmem>>) target_semaphore(%run_scoped3A : memref<!tpu.dma_semaphore, #tpu.memory_space<semaphore_mem>>)
      %dma_wait3A = tpu.memref_slice %arg3[%mul3A_4] : memref<204800xi32, #tpu.memory_space<hbm>> -> memref<6400xi32, #tpu.memory_space<hbm>>
      %dma_wait3A_40 = tpu.memref_slice %arg3[%mul3A_4] : memref<204800xi32, #tpu.memory_space<hbm>> -> memref<6400xi32, #tpu.memory_space<hbm>>
      tpu.wait_dma2 semaphore(%run_scoped3A : memref<!tpu.dma_semaphore, #tpu.memory_space<semaphore_mem>>) src(%dma_wait3A_40 : memref<6400xi32, #tpu.memory_space<hbm>>) dst(%arg5 : memref<6400xi32, #tpu.memory_space<vmem>>)
      tpu.yield
    }) : () -> ()
    %mul3A_5 = arith.constant 50 : i32
    %mul3A_6 = arith.muli %add3A, %mul3A_5 : i32
    %mul3A_7 = arith.constant 128 : i32
    %mul3A_8 = arith.muli %mul3A_6, %mul3A_7 : i32
    %dma_start3A = arith.constant 0 : i32
    %dma_start3A_9 = tpu.memref_slice %arg5[%dma_start3A] : memref<6400xi32, #tpu.memory_space<vmem>> -> memref<128xi32, #tpu.memory_space<vmem>>
    %dma_start3A_10 = arith.constant 0 : i32
    %dma_start3A_11 = arith.constant 0 : i32
    %dma_start3A_12 = tpu.memref_slice %arg2[%dma_start3A_10, %dma_start3A_11] : memref<1000010x128xf32, #tpu.memory_space<hbm>> -> memref<1000010x128xf32, #tpu.memory_space<hbm>>
    tpu.enqueue_indirect_dma source(%dma_start3A_12 : memref<1000010x128xf32, #tpu.memory_space<hbm>>) target(%arg6 : memref<128x128xf32, #tpu.memory_space<vmem>>) offsets(%dma_start3A_9 : memref<128xi32, #tpu.memory_space<vmem>>) semaphore(%arg11 : memref<!tpu.dma_semaphore, #tpu.memory_space<semaphore_mem>>)
    %dma_start3A_13 = arith.constant 128 : i32
    %dma_start3A_14 = tpu.memref_slice %arg5[%dma_start3A_13] : memref<6400xi32, #tpu.memory_space<vmem>> -> memref<128xi32, #tpu.memory_space<vmem>>
    %dma_start3A_15 = arith.constant 0 : i32
    %dma_start3A_16 = arith.constant 0 : i32
    %dma_start3A_17 = tpu.memref_slice %arg2[%dma_start3A_15, %dma_start3A_16] : memref<1000010x128xf32, #tpu.memory_space<hbm>> -> memref<1000010x128xf32, #tpu.memory_space<hbm>>
    tpu.enqueue_indirect_dma source(%dma_start3A_17 : memref<1000010x128xf32, #tpu.memory_space<hbm>>) target(%arg7 : memref<128x128xf32, #tpu.memory_space<vmem>>) offsets(%dma_start3A_14 : memref<128xi32, #tpu.memory_space<vmem>>) semaphore(%arg12 : memref<!tpu.dma_semaphore, #tpu.memory_space<semaphore_mem>>)
    %dma_start3A_18 = arith.constant 256 : i32
    %dma_start3A_19 = tpu.memref_slice %arg5[%dma_start3A_18] : memref<6400xi32, #tpu.memory_space<vmem>> -> memref<128xi32, #tpu.memory_space<vmem>>
    %dma_start3A_20 = arith.constant 0 : i32
    %dma_start3A_21 = arith.constant 0 : i32
    %dma_start3A_22 = tpu.memref_slice %arg2[%dma_start3A_20, %dma_start3A_21] : memref<1000010x128xf32, #tpu.memory_space<hbm>> -> memref<1000010x128xf32, #tpu.memory_space<hbm>>
    tpu.enqueue_indirect_dma source(%dma_start3A_22 : memref<1000010x128xf32, #tpu.memory_space<hbm>>) target(%arg8 : memref<128x128xf32, #tpu.memory_space<vmem>>) offsets(%dma_start3A_19 : memref<128xi32, #tpu.memory_space<vmem>>) semaphore(%arg13 : memref<!tpu.dma_semaphore, #tpu.memory_space<semaphore_mem>>)
    %dma_start3A_23 = arith.constant 384 : i32
    %dma_start3A_24 = tpu.memref_slice %arg5[%dma_start3A_23] : memref<6400xi32, #tpu.memory_space<vmem>> -> memref<128xi32, #tpu.memory_space<vmem>>
    %dma_start3A_25 = arith.constant 0 : i32
    %dma_start3A_26 = arith.constant 0 : i32
    %dma_start3A_27 = tpu.memref_slice %arg2[%dma_start3A_25, %dma_start3A_26] : memref<1000010x128xf32, #tpu.memory_space<hbm>> -> memref<1000010x128xf32, #tpu.memory_space<hbm>>
    tpu.enqueue_indirect_dma source(%dma_start3A_27 : memref<1000010x128xf32, #tpu.memory_space<hbm>>) target(%arg9 : memref<128x128xf32, #tpu.memory_space<vmem>>) offsets(%dma_start3A_24 : memref<128xi32, #tpu.memory_space<vmem>>) semaphore(%arg14 : memref<!tpu.dma_semaphore, #tpu.memory_space<semaphore_mem>>)
    %dma_start3A_28 = arith.constant 512 : i32
    %dma_start3A_29 = tpu.memref_slice %arg5[%dma_start3A_28] : memref<6400xi32, #tpu.memory_space<vmem>> -> memref<128xi32, #tpu.memory_space<vmem>>
    %dma_start3A_30 = arith.constant 0 : i32
    %dma_start3A_31 = arith.constant 0 : i32
    %dma_start3A_32 = tpu.memref_slice %arg2[%dma_start3A_30, %dma_start3A_31] : memref<1000010x128xf32, #tpu.memory_space<hbm>> -> memref<1000010x128xf32, #tpu.memory_space<hbm>>
    tpu.enqueue_indirect_dma source(%dma_start3A_32 : memref<1000010x128xf32, #tpu.memory_space<hbm>>) target(%arg10 : memref<128x128xf32, #tpu.memory_space<vmem>>) offsets(%dma_start3A_29 : memref<128xi32, #tpu.memory_space<vmem>>) semaphore(%arg15 : memref<!tpu.dma_semaphore, #tpu.memory_space<semaphore_mem>>)
    %scan3A = arith.constant 0 : i32
    %scan3A_33 = arith.constant 0 : i32
    %scan3A_34 = arith.constant 10 : i32
    %scan3A_35 = arith.addi %scan3A_33, %scan3A_34 : i32
    %scan3A_36 = arith.constant 1 : i32
    scf.for %scan3A_38 = %scan3A_33 to %scan3A_35 step %scan3A_36  : i32 {
      %mul3A_39 = arith.constant 5 : i32
      %mul3A_40 = arith.muli %scan3A_38, %mul3A_39 : i32
      %add3A_41 = arith.constant 0 : i32
      %add3A_42 = arith.addi %mul3A_40, %add3A_41 : i32
      %mul3A_43 = arith.constant 128 : i32
      %mul3A_44 = arith.muli %add3A_42, %mul3A_43 : i32
      %dma_wait3A = tpu.memref_slice %arg5[%mul3A_44] : memref<6400xi32, #tpu.memory_space<vmem>> -> memref<128xi32, #tpu.memory_space<vmem>>
      %dma_wait3A_45 = arith.constant 0 : i32
      %dma_wait3A_46 = arith.constant 0 : i32
      %dma_wait3A_47 = tpu.memref_slice %arg2[%dma_wait3A_45, %dma_wait3A_46] : memref<1000010x128xf32, #tpu.memory_space<hbm>> -> memref<1000010x128xf32, #tpu.memory_space<hbm>>
      tpu.wait_indirect_dma semaphore(%arg11 : memref<!tpu.dma_semaphore, #tpu.memory_space<semaphore_mem>>) src(%dma_wait3A_47 : memref<1000010x128xf32, #tpu.memory_space<hbm>>) dst(%arg6 : memref<128x128xf32, #tpu.memory_space<vmem>>)
      %mul3A_48 = arith.constant 128 : i32
      %mul3A_49 = arith.muli %add3A_42, %mul3A_48 : i32
      %add3A_50 = arith.addi %mul3A_8, %mul3A_49 : i32
      "tpu.region"() ({
        %run_scoped3A = tpu.sem_alloc : memref<!tpu.dma_semaphore, #tpu.memory_space<semaphore_mem>>
        %dma_start3A_125 = arith.constant 0 : i32
        %dma_start3A_126 = arith.constant 0 : i32
        %dma_start3A_127 = tpu.memref_slice %arg6[%dma_start3A_125, %dma_start3A_126] : memref<128x128xf32, #tpu.memory_space<vmem>> -> memref<128x64xf32, #tpu.memory_space<vmem>>
        %dma_start3A_128 = arith.constant 0 : i32
        %dma_start3A_129 = tpu.memref_slice %arg4[%add3A_50, %dma_start3A_128] : memref<204800x64xf32, #tpu.memory_space<hbm>> -> memref<128x64xf32, #tpu.memory_space<hbm>>
        %dma_start3A_130 = arith.constant 0 : i32
        %dma_start3A_131 = tpu.memref_slice %arg4[%add3A_50, %dma_start3A_130] : memref<204800x64xf32, #tpu.memory_space<hbm>> -> memref<128x64xf32, #tpu.memory_space<hbm>>
        %dma_start3A_132 = arith.constant 0 : i32
        %dma_start3A_133 = arith.constant 0 : i32
        %dma_start3A_134 = tpu.memref_slice %arg6[%dma_start3A_132, %dma_start3A_133] : memref<128x128xf32, #tpu.memory_space<vmem>> -> memref<128x64xf32, #tpu.memory_space<vmem>>
        tpu.enqueue_dma source(%dma_start3A_134 : memref<128x64xf32, #tpu.memory_space<vmem>>) target(%dma_start3A_131 : memref<128x64xf32, #tpu.memory_space<hbm>>) target_semaphore(%run_scoped3A : memref<!tpu.dma_semaphore, #tpu.memory_space<semaphore_mem>>)
        %dma_wait3A_135 = arith.constant 0 : i32
        %dma_wait3A_136 = arith.constant 0 : i32
        %dma_wait3A_137 = tpu.memref_slice %arg6[%dma_wait3A_135, %dma_wait3A_136] : memref<128x128xf32, #tpu.memory_space<vmem>> -> memref<128x64xf32, #tpu.memory_space<vmem>>
        %dma_wait3A_138 = arith.constant 0 : i32
        %dma_wait3A_139 = tpu.memref_slice %arg4[%add3A_50, %dma_wait3A_138] : memref<204800x64xf32, #tpu.memory_space<hbm>> -> memref<128x64xf32, #tpu.memory_space<hbm>>
        %dma_wait3A_140 = arith.constant 0 : i32
        %dma_wait3A_141 = tpu.memref_slice %arg4[%add3A_50, %dma_wait3A_140] : memref<204800x64xf32, #tpu.memory_space<hbm>> -> memref<128x64xf32, #tpu.memory_space<hbm>>
        %dma_wait3A_142 = arith.constant 0 : i32
        %dma_wait3A_143 = arith.constant 0 : i32
        %dma_wait3A_144 = tpu.memref_slice %arg6[%dma_wait3A_142, %dma_wait3A_143] : memref<128x128xf32, #tpu.memory_space<vmem>> -> memref<128x64xf32, #tpu.memory_space<vmem>>
        tpu.wait_dma2 semaphore(%run_scoped3A : memref<!tpu.dma_semaphore, #tpu.memory_space<semaphore_mem>>) src(%dma_wait3A_144 : memref<128x64xf32, #tpu.memory_space<vmem>>) dst(%dma_wait3A_141 : memref<128x64xf32, #tpu.memory_space<hbm>>)
        tpu.yield
      }) : () -> ()
      %lt3A = arith.constant 9 : i32
      %lt3A_51 = arith.cmpi slt, %scan3A_38, %lt3A : i32
      %convert_element_type3A = arith.extui %lt3A_51 : i1 to i32
      %cond3A = arith.constant 0 : i32
      %cond3A_52 = arith.cmpi ne, %convert_element_type3A, %cond3A : i32
      scf.if %cond3A_52 {
        %add3A_125 = arith.constant 5 : i32
        %add3A_126 = arith.addi %add3A_42, %add3A_125 : i32
        %mul3A_127 = arith.constant 128 : i32
        %mul3A_128 = arith.muli %add3A_126, %mul3A_127 : i32
        %dma_start3A_129 = tpu.memref_slice %arg5[%mul3A_128] : memref<6400xi32, #tpu.memory_space<vmem>> -> memref<128xi32, #tpu.memory_space<vmem>>
        %dma_start3A_130 = arith.constant 0 : i32
        %dma_start3A_131 = arith.constant 0 : i32
        %dma_start3A_132 = tpu.memref_slice %arg2[%dma_start3A_130, %dma_start3A_131] : memref<1000010x128xf32, #tpu.memory_space<hbm>> -> memref<1000010x128xf32, #tpu.memory_space<hbm>>
        tpu.enqueue_indirect_dma source(%dma_start3A_132 : memref<1000010x128xf32, #tpu.memory_space<hbm>>) target(%arg6 : memref<128x128xf32, #tpu.memory_space<vmem>>) offsets(%dma_start3A_129 : memref<128xi32, #tpu.memory_space<vmem>>) semaphore(%arg11 : memref<!tpu.dma_semaphore, #tpu.memory_space<semaphore_mem>>)
      } else {
      }
      %mul3A_53 = arith.constant 5 : i32
      %mul3A_54 = arith.muli %scan3A_38, %mul3A_53 : i32
      %add3A_55 = arith.constant 1 : i32
      %add3A_56 = arith.addi %mul3A_54, %add3A_55 : i32
      %mul3A_57 = arith.constant 128 : i32
      %mul3A_58 = arith.muli %add3A_56, %mul3A_57 : i32
      %dma_wait3A_59 = tpu.memref_slice %arg5[%mul3A_58] : memref<6400xi32, #tpu.memory_space<vmem>> -> memref<128xi32, #tpu.memory_space<vmem>>
      %dma_wait3A_60 = arith.constant 0 : i32
      %dma_wait3A_61 = arith.constant 0 : i32
      %dma_wait3A_62 = tpu.memref_slice %arg2[%dma_wait3A_60, %dma_wait3A_61] : memref<1000010x128xf32, #tpu.memory_space<hbm>> -> memref<1000010x128xf32, #tpu.memory_space<hbm>>
      tpu.wait_indirect_dma semaphore(%arg12 : memref<!tpu.dma_semaphore, #tpu.memory_space<semaphore_mem>>) src(%dma_wait3A_62 : memref<1000010x128xf32, #tpu.memory_space<hbm>>) dst(%arg7 : memref<128x128xf32, #tpu.memory_space<vmem>>)
      %mul3A_63 = arith.constant 128 : i32
      %mul3A_64 = arith.muli %add3A_56, %mul3A_63 : i32
      %add3A_65 = arith.addi %mul3A_8, %mul3A_64 : i32
      "tpu.region"() ({
        %run_scoped3A = tpu.sem_alloc : memref<!tpu.dma_semaphore, #tpu.memory_space<semaphore_mem>>
        %dma_start3A_125 = arith.constant 0 : i32
        %dma_start3A_126 = arith.constant 0 : i32
        %dma_start3A_127 = tpu.memref_slice %arg7[%dma_start3A_125, %dma_start3A_126] : memref<128x128xf32, #tpu.memory_space<vmem>> -> memref<128x64xf32, #tpu.memory_space<vmem>>
        %dma_start3A_128 = arith.constant 0 : i32
        %dma_start3A_129 = tpu.memref_slice %arg4[%add3A_65, %dma_start3A_128] : memref<204800x64xf32, #tpu.memory_space<hbm>> -> memref<128x64xf32, #tpu.memory_space<hbm>>
        %dma_start3A_130 = arith.constant 0 : i32
        %dma_start3A_131 = tpu.memref_slice %arg4[%add3A_65, %dma_start3A_130] : memref<204800x64xf32, #tpu.memory_space<hbm>> -> memref<128x64xf32, #tpu.memory_space<hbm>>
        %dma_start3A_132 = arith.constant 0 : i32
        %dma_start3A_133 = arith.constant 0 : i32
        %dma_start3A_134 = tpu.memref_slice %arg7[%dma_start3A_132, %dma_start3A_133] : memref<128x128xf32, #tpu.memory_space<vmem>> -> memref<128x64xf32, #tpu.memory_space<vmem>>
        tpu.enqueue_dma source(%dma_start3A_134 : memref<128x64xf32, #tpu.memory_space<vmem>>) target(%dma_start3A_131 : memref<128x64xf32, #tpu.memory_space<hbm>>) target_semaphore(%run_scoped3A : memref<!tpu.dma_semaphore, #tpu.memory_space<semaphore_mem>>)
        %dma_wait3A_135 = arith.constant 0 : i32
        %dma_wait3A_136 = arith.constant 0 : i32
        %dma_wait3A_137 = tpu.memref_slice %arg7[%dma_wait3A_135, %dma_wait3A_136] : memref<128x128xf32, #tpu.memory_space<vmem>> -> memref<128x64xf32, #tpu.memory_space<vmem>>
        %dma_wait3A_138 = arith.constant 0 : i32
        %dma_wait3A_139 = tpu.memref_slice %arg4[%add3A_65, %dma_wait3A_138] : memref<204800x64xf32, #tpu.memory_space<hbm>> -> memref<128x64xf32, #tpu.memory_space<hbm>>
        %dma_wait3A_140 = arith.constant 0 : i32
        %dma_wait3A_141 = tpu.memref_slice %arg4[%add3A_65, %dma_wait3A_140] : memref<204800x64xf32, #tpu.memory_space<hbm>> -> memref<128x64xf32, #tpu.memory_space<hbm>>
        %dma_wait3A_142 = arith.constant 0 : i32
        %dma_wait3A_143 = arith.constant 0 : i32
        %dma_wait3A_144 = tpu.memref_slice %arg7[%dma_wait3A_142, %dma_wait3A_143] : memref<128x128xf32, #tpu.memory_space<vmem>> -> memref<128x64xf32, #tpu.memory_space<vmem>>
        tpu.wait_dma2 semaphore(%run_scoped3A : memref<!tpu.dma_semaphore, #tpu.memory_space<semaphore_mem>>) src(%dma_wait3A_144 : memref<128x64xf32, #tpu.memory_space<vmem>>) dst(%dma_wait3A_141 : memref<128x64xf32, #tpu.memory_space<hbm>>)
        tpu.yield
      }) : () -> ()
      %lt3A_66 = arith.constant 9 : i32
      %lt3A_67 = arith.cmpi slt, %scan3A_38, %lt3A_66 : i32
      %convert_element_type3A_68 = arith.extui %lt3A_67 : i1 to i32
      %cond3A_69 = arith.constant 0 : i32
      %cond3A_70 = arith.cmpi ne, %convert_element_type3A_68, %cond3A_69 : i32
      scf.if %cond3A_70 {
        %add3A_125 = arith.constant 5 : i32
        %add3A_126 = arith.addi %add3A_56, %add3A_125 : i32
        %mul3A_127 = arith.constant 128 : i32
        %mul3A_128 = arith.muli %add3A_126, %mul3A_127 : i32
        %dma_start3A_129 = tpu.memref_slice %arg5[%mul3A_128] : memref<6400xi32, #tpu.memory_space<vmem>> -> memref<128xi32, #tpu.memory_space<vmem>>
        %dma_start3A_130 = arith.constant 0 : i32
        %dma_start3A_131 = arith.constant 0 : i32
        %dma_start3A_132 = tpu.memref_slice %arg2[%dma_start3A_130, %dma_start3A_131] : memref<1000010x128xf32, #tpu.memory_space<hbm>> -> memref<1000010x128xf32, #tpu.memory_space<hbm>>
        tpu.enqueue_indirect_dma source(%dma_start3A_132 : memref<1000010x128xf32, #tpu.memory_space<hbm>>) target(%arg7 : memref<128x128xf32, #tpu.memory_space<vmem>>) offsets(%dma_start3A_129 : memref<128xi32, #tpu.memory_space<vmem>>) semaphore(%arg12 : memref<!tpu.dma_semaphore, #tpu.memory_space<semaphore_mem>>)
      } else {
      }
      %mul3A_71 = arith.constant 5 : i32
      %mul3A_72 = arith.muli %scan3A_38, %mul3A_71 : i32
      %add3A_73 = arith.constant 2 : i32
      %add3A_74 = arith.addi %mul3A_72, %add3A_73 : i32
      %mul3A_75 = arith.constant 128 : i32
      %mul3A_76 = arith.muli %add3A_74, %mul3A_75 : i32
      %dma_wait3A_77 = tpu.memref_slice %arg5[%mul3A_76] : memref<6400xi32, #tpu.memory_space<vmem>> -> memref<128xi32, #tpu.memory_space<vmem>>
      %dma_wait3A_78 = arith.constant 0 : i32
      %dma_wait3A_79 = arith.constant 0 : i32
      %dma_wait3A_80 = tpu.memref_slice %arg2[%dma_wait3A_78, %dma_wait3A_79] : memref<1000010x128xf32, #tpu.memory_space<hbm>> -> memref<1000010x128xf32, #tpu.memory_space<hbm>>
      tpu.wait_indirect_dma semaphore(%arg13 : memref<!tpu.dma_semaphore, #tpu.memory_space<semaphore_mem>>) src(%dma_wait3A_80 : memref<1000010x128xf32, #tpu.memory_space<hbm>>) dst(%arg8 : memref<128x128xf32, #tpu.memory_space<vmem>>)
      %mul3A_81 = arith.constant 128 : i32
      %mul3A_82 = arith.muli %add3A_74, %mul3A_81 : i32
      %add3A_83 = arith.addi %mul3A_8, %mul3A_82 : i32
      "tpu.region"() ({
        %run_scoped3A = tpu.sem_alloc : memref<!tpu.dma_semaphore, #tpu.memory_space<semaphore_mem>>
        %dma_start3A_125 = arith.constant 0 : i32
        %dma_start3A_126 = arith.constant 0 : i32
        %dma_start3A_127 = tpu.memref_slice %arg8[%dma_start3A_125, %dma_start3A_126] : memref<128x128xf32, #tpu.memory_space<vmem>> -> memref<128x64xf32, #tpu.memory_space<vmem>>
        %dma_start3A_128 = arith.constant 0 : i32
        %dma_start3A_129 = tpu.memref_slice %arg4[%add3A_83, %dma_start3A_128] : memref<204800x64xf32, #tpu.memory_space<hbm>> -> memref<128x64xf32, #tpu.memory_space<hbm>>
        %dma_start3A_130 = arith.constant 0 : i32
        %dma_start3A_131 = tpu.memref_slice %arg4[%add3A_83, %dma_start3A_130] : memref<204800x64xf32, #tpu.memory_space<hbm>> -> memref<128x64xf32, #tpu.memory_space<hbm>>
        %dma_start3A_132 = arith.constant 0 : i32
        %dma_start3A_133 = arith.constant 0 : i32
        %dma_start3A_134 = tpu.memref_slice %arg8[%dma_start3A_132, %dma_start3A_133] : memref<128x128xf32, #tpu.memory_space<vmem>> -> memref<128x64xf32, #tpu.memory_space<vmem>>
        tpu.enqueue_dma source(%dma_start3A_134 : memref<128x64xf32, #tpu.memory_space<vmem>>) target(%dma_start3A_131 : memref<128x64xf32, #tpu.memory_space<hbm>>) target_semaphore(%run_scoped3A : memref<!tpu.dma_semaphore, #tpu.memory_space<semaphore_mem>>)
        %dma_wait3A_135 = arith.constant 0 : i32
        %dma_wait3A_136 = arith.constant 0 : i32
        %dma_wait3A_137 = tpu.memref_slice %arg8[%dma_wait3A_135, %dma_wait3A_136] : memref<128x128xf32, #tpu.memory_space<vmem>> -> memref<128x64xf32, #tpu.memory_space<vmem>>
        %dma_wait3A_138 = arith.constant 0 : i32
        %dma_wait3A_139 = tpu.memref_slice %arg4[%add3A_83, %dma_wait3A_138] : memref<204800x64xf32, #tpu.memory_space<hbm>> -> memref<128x64xf32, #tpu.memory_space<hbm>>
        %dma_wait3A_140 = arith.constant 0 : i32
        %dma_wait3A_141 = tpu.memref_slice %arg4[%add3A_83, %dma_wait3A_140] : memref<204800x64xf32, #tpu.memory_space<hbm>> -> memref<128x64xf32, #tpu.memory_space<hbm>>
        %dma_wait3A_142 = arith.constant 0 : i32
        %dma_wait3A_143 = arith.constant 0 : i32
        %dma_wait3A_144 = tpu.memref_slice %arg8[%dma_wait3A_142, %dma_wait3A_143] : memref<128x128xf32, #tpu.memory_space<vmem>> -> memref<128x64xf32, #tpu.memory_space<vmem>>
        tpu.wait_dma2 semaphore(%run_scoped3A : memref<!tpu.dma_semaphore, #tpu.memory_space<semaphore_mem>>) src(%dma_wait3A_144 : memref<128x64xf32, #tpu.memory_space<vmem>>) dst(%dma_wait3A_141 : memref<128x64xf32, #tpu.memory_space<hbm>>)
        tpu.yield
      }) : () -> ()
      %lt3A_84 = arith.constant 9 : i32
      %lt3A_85 = arith.cmpi slt, %scan3A_38, %lt3A_84 : i32
      %convert_element_type3A_86 = arith.extui %lt3A_85 : i1 to i32
      %cond3A_87 = arith.constant 0 : i32
      %cond3A_88 = arith.cmpi ne, %convert_element_type3A_86, %cond3A_87 : i32
      scf.if %cond3A_88 {
        %add3A_125 = arith.constant 5 : i32
        %add3A_126 = arith.addi %add3A_74, %add3A_125 : i32
        %mul3A_127 = arith.constant 128 : i32
        %mul3A_128 = arith.muli %add3A_126, %mul3A_127 : i32
        %dma_start3A_129 = tpu.memref_slice %arg5[%mul3A_128] : memref<6400xi32, #tpu.memory_space<vmem>> -> memref<128xi32, #tpu.memory_space<vmem>>
        %dma_start3A_130 = arith.constant 0 : i32
        %dma_start3A_131 = arith.constant 0 : i32
        %dma_start3A_132 = tpu.memref_slice %arg2[%dma_start3A_130, %dma_start3A_131] : memref<1000010x128xf32, #tpu.memory_space<hbm>> -> memref<1000010x128xf32, #tpu.memory_space<hbm>>
        tpu.enqueue_indirect_dma source(%dma_start3A_132 : memref<1000010x128xf32, #tpu.memory_space<hbm>>) target(%arg8 : memref<128x128xf32, #tpu.memory_space<vmem>>) offsets(%dma_start3A_129 : memref<128xi32, #tpu.memory_space<vmem>>) semaphore(%arg13 : memref<!tpu.dma_semaphore, #tpu.memory_space<semaphore_mem>>)
      } else {
      }
      %mul3A_89 = arith.constant 5 : i32
      %mul3A_90 = arith.muli %scan3A_38, %mul3A_89 : i32
      %add3A_91 = arith.constant 3 : i32
      %add3A_92 = arith.addi %mul3A_90, %add3A_91 : i32
      %mul3A_93 = arith.constant 128 : i32
      %mul3A_94 = arith.muli %add3A_92, %mul3A_93 : i32
      %dma_wait3A_95 = tpu.memref_slice %arg5[%mul3A_94] : memref<6400xi32, #tpu.memory_space<vmem>> -> memref<128xi32, #tpu.memory_space<vmem>>
      %dma_wait3A_96 = arith.constant 0 : i32
      %dma_wait3A_97 = arith.constant 0 : i32
      %dma_wait3A_98 = tpu.memref_slice %arg2[%dma_wait3A_96, %dma_wait3A_97] : memref<1000010x128xf32, #tpu.memory_space<hbm>> -> memref<1000010x128xf32, #tpu.memory_space<hbm>>
      tpu.wait_indirect_dma semaphore(%arg14 : memref<!tpu.dma_semaphore, #tpu.memory_space<semaphore_mem>>) src(%dma_wait3A_98 : memref<1000010x128xf32, #tpu.memory_space<hbm>>) dst(%arg9 : memref<128x128xf32, #tpu.memory_space<vmem>>)
      %mul3A_99 = arith.constant 128 : i32
      %mul3A_100 = arith.muli %add3A_92, %mul3A_99 : i32
      %add3A_101 = arith.addi %mul3A_8, %mul3A_100 : i32
      "tpu.region"() ({
        %run_scoped3A = tpu.sem_alloc : memref<!tpu.dma_semaphore, #tpu.memory_space<semaphore_mem>>
        %dma_start3A_125 = arith.constant 0 : i32
        %dma_start3A_126 = arith.constant 0 : i32
        %dma_start3A_127 = tpu.memref_slice %arg9[%dma_start3A_125, %dma_start3A_126] : memref<128x128xf32, #tpu.memory_space<vmem>> -> memref<128x64xf32, #tpu.memory_space<vmem>>
        %dma_start3A_128 = arith.constant 0 : i32
        %dma_start3A_129 = tpu.memref_slice %arg4[%add3A_101, %dma_start3A_128] : memref<204800x64xf32, #tpu.memory_space<hbm>> -> memref<128x64xf32, #tpu.memory_space<hbm>>
        %dma_start3A_130 = arith.constant 0 : i32
        %dma_start3A_131 = tpu.memref_slice %arg4[%add3A_101, %dma_start3A_130] : memref<204800x64xf32, #tpu.memory_space<hbm>> -> memref<128x64xf32, #tpu.memory_space<hbm>>
        %dma_start3A_132 = arith.constant 0 : i32
        %dma_start3A_133 = arith.constant 0 : i32
        %dma_start3A_134 = tpu.memref_slice %arg9[%dma_start3A_132, %dma_start3A_133] : memref<128x128xf32, #tpu.memory_space<vmem>> -> memref<128x64xf32, #tpu.memory_space<vmem>>
        tpu.enqueue_dma source(%dma_start3A_134 : memref<128x64xf32, #tpu.memory_space<vmem>>) target(%dma_start3A_131 : memref<128x64xf32, #tpu.memory_space<hbm>>) target_semaphore(%run_scoped3A : memref<!tpu.dma_semaphore, #tpu.memory_space<semaphore_mem>>)
        %dma_wait3A_135 = arith.constant 0 : i32
        %dma_wait3A_136 = arith.constant 0 : i32
        %dma_wait3A_137 = tpu.memref_slice %arg9[%dma_wait3A_135, %dma_wait3A_136] : memref<128x128xf32, #tpu.memory_space<vmem>> -> memref<128x64xf32, #tpu.memory_space<vmem>>
        %dma_wait3A_138 = arith.constant 0 : i32
        %dma_wait3A_139 = tpu.memref_slice %arg4[%add3A_101, %dma_wait3A_138] : memref<204800x64xf32, #tpu.memory_space<hbm>> -> memref<128x64xf32, #tpu.memory_space<hbm>>
        %dma_wait3A_140 = arith.constant 0 : i32
        %dma_wait3A_141 = tpu.memref_slice %arg4[%add3A_101, %dma_wait3A_140] : memref<204800x64xf32, #tpu.memory_space<hbm>> -> memref<128x64xf32, #tpu.memory_space<hbm>>
        %dma_wait3A_142 = arith.constant 0 : i32
        %dma_wait3A_143 = arith.constant 0 : i32
        %dma_wait3A_144 = tpu.memref_slice %arg9[%dma_wait3A_142, %dma_wait3A_143] : memref<128x128xf32, #tpu.memory_space<vmem>> -> memref<128x64xf32, #tpu.memory_space<vmem>>
        tpu.wait_dma2 semaphore(%run_scoped3A : memref<!tpu.dma_semaphore, #tpu.memory_space<semaphore_mem>>) src(%dma_wait3A_144 : memref<128x64xf32, #tpu.memory_space<vmem>>) dst(%dma_wait3A_141 : memref<128x64xf32, #tpu.memory_space<hbm>>)
        tpu.yield
      }) : () -> ()
      %lt3A_102 = arith.constant 9 : i32
      %lt3A_103 = arith.cmpi slt, %scan3A_38, %lt3A_102 : i32
      %convert_element_type3A_104 = arith.extui %lt3A_103 : i1 to i32
      %cond3A_105 = arith.constant 0 : i32
      %cond3A_106 = arith.cmpi ne, %convert_element_type3A_104, %cond3A_105 : i32
      scf.if %cond3A_106 {
        %add3A_125 = arith.constant 5 : i32
        %add3A_126 = arith.addi %add3A_92, %add3A_125 : i32
        %mul3A_127 = arith.constant 128 : i32
        %mul3A_128 = arith.muli %add3A_126, %mul3A_127 : i32
        %dma_start3A_129 = tpu.memref_slice %arg5[%mul3A_128] : memref<6400xi32, #tpu.memory_space<vmem>> -> memref<128xi32, #tpu.memory_space<vmem>>
        %dma_start3A_130 = arith.constant 0 : i32
        %dma_start3A_131 = arith.constant 0 : i32
        %dma_start3A_132 = tpu.memref_slice %arg2[%dma_start3A_130, %dma_start3A_131] : memref<1000010x128xf32, #tpu.memory_space<hbm>> -> memref<1000010x128xf32, #tpu.memory_space<hbm>>
        tpu.enqueue_indirect_dma source(%dma_start3A_132 : memref<1000010x128xf32, #tpu.memory_space<hbm>>) target(%arg9 : memref<128x128xf32, #tpu.memory_space<vmem>>) offsets(%dma_start3A_129 : memref<128xi32, #tpu.memory_space<vmem>>) semaphore(%arg14 : memref<!tpu.dma_semaphore, #tpu.memory_space<semaphore_mem>>)
      } else {
      }
      %mul3A_107 = arith.constant 5 : i32
      %mul3A_108 = arith.muli %scan3A_38, %mul3A_107 : i32
      %add3A_109 = arith.constant 4 : i32
      %add3A_110 = arith.addi %mul3A_108, %add3A_109 : i32
      %mul3A_111 = arith.constant 128 : i32
      %mul3A_112 = arith.muli %add3A_110, %mul3A_111 : i32
      %dma_wait3A_113 = tpu.memref_slice %arg5[%mul3A_112] : memref<6400xi32, #tpu.memory_space<vmem>> -> memref<128xi32, #tpu.memory_space<vmem>>
      %dma_wait3A_114 = arith.constant 0 : i32
      %dma_wait3A_115 = arith.constant 0 : i32
      %dma_wait3A_116 = tpu.memref_slice %arg2[%dma_wait3A_114, %dma_wait3A_115] : memref<1000010x128xf32, #tpu.memory_space<hbm>> -> memref<1000010x128xf32, #tpu.memory_space<hbm>>
      tpu.wait_indirect_dma semaphore(%arg15 : memref<!tpu.dma_semaphore, #tpu.memory_space<semaphore_mem>>) src(%dma_wait3A_116 : memref<1000010x128xf32, #tpu.memory_space<hbm>>) dst(%arg10 : memref<128x128xf32, #tpu.memory_space<vmem>>)
      %mul3A_117 = arith.constant 128 : i32
      %mul3A_118 = arith.muli %add3A_110, %mul3A_117 : i32
      %add3A_119 = arith.addi %mul3A_8, %mul3A_118 : i32
      "tpu.region"() ({
        %run_scoped3A = tpu.sem_alloc : memref<!tpu.dma_semaphore, #tpu.memory_space<semaphore_mem>>
        %dma_start3A_125 = arith.constant 0 : i32
        %dma_start3A_126 = arith.constant 0 : i32
        %dma_start3A_127 = tpu.memref_slice %arg10[%dma_start3A_125, %dma_start3A_126] : memref<128x128xf32, #tpu.memory_space<vmem>> -> memref<128x64xf32, #tpu.memory_space<vmem>>
        %dma_start3A_128 = arith.constant 0 : i32
        %dma_start3A_129 = tpu.memref_slice %arg4[%add3A_119, %dma_start3A_128] : memref<204800x64xf32, #tpu.memory_space<hbm>> -> memref<128x64xf32, #tpu.memory_space<hbm>>
        %dma_start3A_130 = arith.constant 0 : i32
        %dma_start3A_131 = tpu.memref_slice %arg4[%add3A_119, %dma_start3A_130] : memref<204800x64xf32, #tpu.memory_space<hbm>> -> memref<128x64xf32, #tpu.memory_space<hbm>>
        %dma_start3A_132 = arith.constant 0 : i32
        %dma_start3A_133 = arith.constant 0 : i32
        %dma_start3A_134 = tpu.memref_slice %arg10[%dma_start3A_132, %dma_start3A_133] : memref<128x128xf32, #tpu.memory_space<vmem>> -> memref<128x64xf32, #tpu.memory_space<vmem>>
        tpu.enqueue_dma source(%dma_start3A_134 : memref<128x64xf32, #tpu.memory_space<vmem>>) target(%dma_start3A_131 : memref<128x64xf32, #tpu.memory_space<hbm>>) target_semaphore(%run_scoped3A : memref<!tpu.dma_semaphore, #tpu.memory_space<semaphore_mem>>)
        %dma_wait3A_135 = arith.constant 0 : i32
        %dma_wait3A_136 = arith.constant 0 : i32
        %dma_wait3A_137 = tpu.memref_slice %arg10[%dma_wait3A_135, %dma_wait3A_136] : memref<128x128xf32, #tpu.memory_space<vmem>> -> memref<128x64xf32, #tpu.memory_space<vmem>>
        %dma_wait3A_138 = arith.constant 0 : i32
        %dma_wait3A_139 = tpu.memref_slice %arg4[%add3A_119, %dma_wait3A_138] : memref<204800x64xf32, #tpu.memory_space<hbm>> -> memref<128x64xf32, #tpu.memory_space<hbm>>
        %dma_wait3A_140 = arith.constant 0 : i32
        %dma_wait3A_141 = tpu.memref_slice %arg4[%add3A_119, %dma_wait3A_140] : memref<204800x64xf32, #tpu.memory_space<hbm>> -> memref<128x64xf32, #tpu.memory_space<hbm>>
        %dma_wait3A_142 = arith.constant 0 : i32
        %dma_wait3A_143 = arith.constant 0 : i32
        %dma_wait3A_144 = tpu.memref_slice %arg10[%dma_wait3A_142, %dma_wait3A_143] : memref<128x128xf32, #tpu.memory_space<vmem>> -> memref<128x64xf32, #tpu.memory_space<vmem>>
        tpu.wait_dma2 semaphore(%run_scoped3A : memref<!tpu.dma_semaphore, #tpu.memory_space<semaphore_mem>>) src(%dma_wait3A_144 : memref<128x64xf32, #tpu.memory_space<vmem>>) dst(%dma_wait3A_141 : memref<128x64xf32, #tpu.memory_space<hbm>>)
        tpu.yield
      }) : () -> ()
      %lt3A_120 = arith.constant 9 : i32
      %lt3A_121 = arith.cmpi slt, %scan3A_38, %lt3A_120 : i32
      %convert_element_type3A_122 = arith.extui %lt3A_121 : i1 to i32
      %cond3A_123 = arith.constant 0 : i32
      %cond3A_124 = arith.cmpi ne, %convert_element_type3A_122, %cond3A_123 : i32
      scf.if %cond3A_124 {
        %add3A_125 = arith.constant 5 : i32
        %add3A_126 = arith.addi %add3A_110, %add3A_125 : i32
        %mul3A_127 = arith.constant 128 : i32
        %mul3A_128 = arith.muli %add3A_126, %mul3A_127 : i32
        %dma_start3A_129 = tpu.memref_slice %arg5[%mul3A_128] : memref<6400xi32, #tpu.memory_space<vmem>> -> memref<128xi32, #tpu.memory_space<vmem>>
        %dma_start3A_130 = arith.constant 0 : i32
        %dma_start3A_131 = arith.constant 0 : i32
        %dma_start3A_132 = tpu.memref_slice %arg2[%dma_start3A_130, %dma_start3A_131] : memref<1000010x128xf32, #tpu.memory_space<hbm>> -> memref<1000010x128xf32, #tpu.memory_space<hbm>>
        tpu.enqueue_indirect_dma source(%dma_start3A_132 : memref<1000010x128xf32, #tpu.memory_space<hbm>>) target(%arg10 : memref<128x128xf32, #tpu.memory_space<vmem>>) offsets(%dma_start3A_129 : memref<128xi32, #tpu.memory_space<vmem>>) semaphore(%arg15 : memref<!tpu.dma_semaphore, #tpu.memory_space<semaphore_mem>>)
      } else {
      }
    }
    %scan3A_37 = arith.constant 10 : i32
    return
  }
}

module attributes {stable_mosaic.version = 14 : i64} {
  func.func @_tc_format_body(%arg0: i32, %arg1: memref<64x2048xf32, #tpu.memory_space<vmem>>, %arg2: memref<2048x128xf32, #tpu.memory_space<vmem>>) attributes {dimension_semantics = [#tpu.dimension_semantics<arbitrary>], iteration_bounds = array<i64: 489>, scalar_prefetch = 0 : i64, scratch_operands = 0 : i64, tpu.core_type = #tpu.core_type<tc>, window_params = [{transform_indices = @transform_0, window_bounds = array<i64: 64, 2048>}, {transform_indices = @transform_1, window_bounds = array<i64: 2048, 128>}]} {
    %iota3A = tpu.iota {dimensions = array<i32: 0>} : vector<64x64xi32>
    %iota3A_0 = tpu.iota {dimensions = array<i32: 1>} : vector<64x64xi32>
    %add3A = arith.constant 0 : i32
    %add3A_1 = vector.broadcast %add3A : i32 to vector<64x64xi32>
    %add3A_2 = arith.addi %iota3A, %add3A_1 : vector<64x64xi32>
    %eq3A = arith.cmpi eq, %add3A_2, %iota3A_0 : vector<64x64xi32>
    %convert_element_type3A = arith.extui %eq3A : vector<64x64xi1> to vector<64x64xi32>
    %convert_element_type3A_3 = arith.sitofp %convert_element_type3A : vector<64x64xi32> to vector<64x64xf32>
    %get3A = arith.constant 0 : index
    %get3A_4 = arith.constant 0 : index
    %get3A_5 = vector.load %arg1[%get3A, %get3A_4] : memref<64x2048xf32, #tpu.memory_space<vmem>>, vector<64x2048xf32>
    %dot_general3A = arith.constant dense<0.000000e+00> : vector<2048x64xf32>
    %dot_general3A_6 = tpu.matmul %get3A_5, %convert_element_type3A_3, %dot_general3A {dimension_numbers = #tpu.dot_dimension_numbers<[0], [0], [1], [1], [0, 1, 1, 1], [], []>, precision = #tpu.contract_precision<fp32>, transpose_lhs_hint = false} : vector<64x2048xf32>, vector<64x64xf32>, vector<2048x64xf32> -> vector<2048x64xf32>
    %swap3A = arith.constant 0 : index
    %swap3A_7 = arith.constant 0 : index
    %swap3A_8 = vector.load %arg2[%swap3A, %swap3A_7] : memref<2048x128xf32, #tpu.memory_space<vmem>>, vector<2048x64xf32>
    tpu.vector_store %arg2[%swap3A, %swap3A_7], %dot_general3A_6 {strides = array<i32>} : memref<2048x128xf32, #tpu.memory_space<vmem>>, vector<2048x64xf32>,
    return
  }
  func.func @transform_0(%arg0: i32) -> (i32, i32) {
    %c0_i32 = arith.constant 0 : i32
    %c0_i32_0 = arith.constant 0 : i32
    return %c0_i32, %arg0 : i32, i32
  }
  func.func @transform_1(%arg0: i32) -> (i32, i32) {
    %c0_i32 = arith.constant 0 : i32
    %c0_i32_0 = arith.constant 0 : i32
    return %arg0, %c0_i32 : i32, i32
  }
}

</mosaic_0001>

<sc_bundles>
// kernel: kernel.4.cloned.1.call-start
scs
__scs_entry_jumppad:
0x0: {  	(pc) =	sbr.rel $0x88, $3  }
0x1: {  	(tag) =	ssettag $0x0;
	lr =	simm.s32 $0x1  }
0x2: {  	[smem:$0x3F9F] =	sst lr;
	_ =	strace $0xD0000000  }
0x3: {  	_ = 	snop  }
0x4: {  	_ = 	snop  }
0x5: {  	_ = 	snop  }
0x6: {  	_ = 	snop  }
0x7: {  	_ = 	snop  }
__scs_overlays_trampoline_lowered:
0x8: {  	[smem:$0x3FAE] =	sst s0  }
0x9: {  	[smem:$0x3FAF] =	sst s1  }
0xa: {  	[smem:$0x3FB0] =	sst s2  }
0xb: {  	[smem:$0x3FB1] =	sst s3  }
0xc: {  	[smem:$0x3FB2] =	sst s4  }
0xd: {  	[smem:$0x3FB3] =	sst s5  }
0xe: {  	[smem:$0x3FB4] =	sst s6  }
0xf: {  	[smem:$0x3FB5] =	sst s7  }
0x10: {  	[smem:$0x3FB6] =	sst s8  }
0x11: {  	[smem:$0x3FB7] =	sst s9;
	s0 =	simm.s32 @!p0 $0x0  }
0x12: {  	s1 =	sld [smem:$0x3F9D];
	s0 =	simm.s32 @p0 $0x1  }
0x13: {  	[smem:$0x3FB8] =	sst s0;
	s0 =	simm.s32 @!p1 $0x0  }
0x14: {  	s2 =	sld [smem:$0x3F9C];
	s0 =	simm.s32 @p1 $0x1  }
0x15: {  	[smem:$0x3FB9] =	sst s0;
	s0 =	simm.s32 @!p2 $0x0  }
0x16: {  	s3 =	sld [smem:$0x3FDB];
	s0 =	simm.s32 @p2 $0x1  }
0x17: {  	s4 =	simm.s32 $0x1BF5;
	[smem:$0x3FBB] =	sst s0  }
0x18: {  	s0 =	sld [smem:$0x3F9E];
	_ =	swait.ge [sflag:s4], $0x0  }
0x19: {  	s7 =	sld [smem:$0x3F9F]  }
0x1a: {  	s8 =	sadd.s32 $0xFFFFE003, lr  }
0x1b: {  	s9 =	sadd.s32 $0xFFFFFEF7, lr;
	s5 =	simm.s32 $0xFFFFFFFF;
	p2 =	slt.u32 s8, $0xFFFFF086  }
0x1c: {  	p1 =	slt.u32 s9, $0xF7A;
	s5 =	simm.s32 @!p2 $0x0  }
0x1d: {  	s5 =	simm.s32 @p1 $0x1;
	p0 =	seq.s32 s7, s2  }
0x1e: {  	s7 =	smul.u32 @!p0 $0xF7A, s2;
	p2 =	seq.s32 @!p0 s5, $0x0  }
0x1f: {  	s9 =	smul.u32 $0xF7A, s1;
	s8 =	simm.s32 @!p0 $0x1BF5;
	p2 =	por !p2, p0  }
0x20: {  	[sflag:s8] =	ssyncset.s32 @!p0 $0xFFFFF086;
	s6 =	sadd.s32 @!p0 s3, s7;
	s7 =	simm.s32 @!p0 $0x108  }
0x21: {  	s3 =	sadd.s32 s3, s9;
	s6 =	sadd.s32 @!p0 $0x88, s6;
	s7 =	simm.s32 @p2 $0x1082  }
0x22: {  	[simem:s7], [sflag:s8] =	dma.local @!p0 [hbm:s6], $0xF7A  }
0x23: {  	s9 =	sor.u32 $0xD0000000, s2;
	s6 =	simm.s32 $0x108;
	_ =	swait.ge @!p0 [sflag:s8], $0x0  }
0x24: {  	s3 =	sadd.s32 $0x88, s3;
	s6 =	simm.s32 @!p1 $0x1082;
	[sflag:s4] =	ssyncset.s32 $0xFFFFF086  }
0x25: {  	[simem:s6], [sflag:s4] =	dma.local [hbm:s3], $0xF7A  }
0x26: {  	[smem:$0x3F9F] =	sst s1;
	(tag) =	ssettag s2;
	_ =	strace s9  }
0x27: {  	s1 =	sld [smem:$0x3FAF]  }
0x28: {  	s2 =	sld [smem:$0x3FB0]  }
0x29: {  	s4 =	sld [smem:$0x3FB2]  }
0x2a: {  	p0 =	seq.s32 s5, $0x0;
	s5 =	sld [smem:$0x3FB3]  }
0x2b: {  	s6 =	sld [smem:$0x3FB4]  }
0x2c: {  	s7 =	sld [smem:$0x3FB5]  }
0x2d: {  	s3 =	simm.s32 $0x108;
	s8 =	sld [smem:$0x3FB6]  }
0x2e: {  	s3 =	simm.s32 @!p0 $0x1082;
	s9 =	sld [smem:$0x3FB7]  }
0x2f: {  	lr =	sadd.s32 s0, s3;
	s0 =	sld [smem:$0x3FAE]  }
0x30: {  	s3 =	sld [smem:$0x3FB1]  }
0x31: {  	[smem:$0x3FBA] =	sst s10  }
0x32: {  	s10 =	sld [smem:$0x3FB8];
	_ =	sdelay $0x3  }
0x33: {  	p0 =	seq.s32 s10, $0x1;
	s10 =	sld [smem:$0x3FBA];
	_ =	sdelay $0x3  }
0x34: {  	[smem:$0x3FBA] =	sst s10  }
0x35: {  	s10 =	sld [smem:$0x3FB9];
	_ =	sdelay $0x3  }
0x36: {  	p1 =	seq.s32 s10, $0x1;
	s10 =	sld [smem:$0x3FBA];
	_ =	sdelay $0x3  }
0x37: {  	[smem:$0x3FBA] =	sst s10  }
0x38: {  	s10 =	sld [smem:$0x3FBB]  }
0x39: {  	_ = 	snop;
	(pc) =	sbr.ind lr, $3  }
0x3a: {  	_ = 	snop  }
0x3b: {  	_ = 	snop  }
0x3c: {  	p2 =	seq.s32 s10, $0x1;
	s10 =	sld [smem:$0x3FBA]  }
0x3d: {  	_ =	shalt  }
0x3e: {  	_ =	shalt  }
0x3f: {  	_ =	shalt  }
0x40: {  	_ =	shalt  }
0x41: {  	_ =	shalt  }
0x42: {  	_ =	shalt  }
0x43: {  	_ =	shalt  }
0x44: {  	_ =	shalt  }
0x45: {  	_ =	shalt  }
0x46: {  	_ =	shalt  }
0x47: {  	_ =	shalt  }
0x48: {  	_ =	shalt  }
0x49: {  	_ =	shalt  }
0x4a: {  	_ =	shalt  }
0x4b: {  	_ =	shalt  }
0x4c: {  	_ =	shalt  }
0x4d: {  	_ =	shalt  }
0x4e: {  	_ =	shalt  }
0x4f: {  	_ =	shalt  }
0x50: {  	_ =	shalt  }
0x51: {  	_ =	shalt  }
0x52: {  	_ =	shalt  }
0x53: {  	_ =	shalt  }
0x54: {  	_ =	shalt  }
0x55: {  	_ =	shalt  }
0x56: {  	_ =	shalt  }
0x57: {  	_ =	shalt  }
0x58: {  	_ =	shalt  }
0x59: {  	_ =	shalt  }
0x5a: {  	_ =	shalt  }
0x5b: {  	_ =	shalt  }
0x5c: {  	_ =	shalt  }
0x5d: {  	_ =	shalt  }
0x5e: {  	_ =	shalt  }
0x5f: {  	_ =	shalt  }
0x60: {  	_ =	shalt  }
0x61: {  	_ =	shalt  }
0x62: {  	_ =	shalt  }
0x63: {  	_ =	shalt  }
0x64: {  	_ =	shalt  }
0x65: {  	_ =	shalt  }
0x66: {  	_ =	shalt  }
0x67: {  	_ =	shalt  }
0x68: {  	_ =	shalt  }
0x69: {  	_ =	shalt  }
0x6a: {  	_ =	shalt  }
0x6b: {  	_ =	shalt  }
0x6c: {  	_ =	shalt  }
0x6d: {  	_ =	shalt  }
0x6e: {  	_ =	shalt  }
0x6f: {  	_ =	shalt  }
0x70: {  	_ =	shalt  }
0x71: {  	_ =	shalt  }
0x72: {  	_ =	shalt  }
0x73: {  	_ =	shalt  }
0x74: {  	_ =	shalt  }
0x75: {  	_ =	shalt  }
0x76: {  	_ =	shalt  }
0x77: {  	_ =	shalt  }
0x78: {  	_ =	shalt  }
0x79: {  	_ =	shalt  }
0x7a: {  	_ =	shalt  }
0x7b: {  	_ =	shalt  }
0x7c: {  	_ =	shalt  }
0x7d: {  	_ =	shalt  }
0x7e: {  	_ =	shalt  }
0x7f: {  	_ =	shalt  }
0x80: {  	_ =	shalt  }
0x81: {  	_ =	shalt  }
0x82: {  	_ =	shalt  }
0x83: {  	_ =	shalt  }
0x84: {  	_ =	shalt  }
0x85: {  	_ =	shalt  }
0x86: {  	_ =	shalt  }
0x87: {  	_ =	shalt  }
.Lfunc_end0:
.L_simem_size_0:
called_computation.1_lowered:
.L_overlay_start_0:
0x88: {  	s2 =	sld [smem:$0x3FD9]  }
0x89: {  	s3 =	sld [smem:$0x3FFE];
	_ =	sdelay $0x1  }
0x8a: {  	s1 =	srdreg.scid  }
0x8b: {  	s0 =	sand.u32 $0x1, s1  }
0x8c: {  	s17 =	sshll.u32 s0, $0xA;
	s2 =	sadd.s32 s3, s2  }
0x8d: {  	s2 =	sadd.s32 s2, s17  }
0x8e: {  	[smem:$0x3FC6] =	sst s2  }
0x8f: {  	_ = 	snop  }
0x90: {  	s2 =	sld [smem:$0x3FD0];
	(tm) =	ssettm $0x1  }
0x91: {  	s18 =	sld [smem:$0x3FFB];
	_ =	sdelay $0x3  }
0x92: {  	_ =	strace s18  }
0x93: {  	s3 =	sld [smem:$0x3FFC];
	_ =	sdelay $0x3  }
0x94: {  	_ =	strace s3  }
0x95: {  	s3 =	sld [smem:$0x3FFD];
	_ =	sdelay $0x3  }
0x96: {  	_ =	strace s3  }
0x97: {  	_ =	strace $0x8FFFFFFF  }
0x98: {  	s19 =	sld [smem:$0x3FDB];
	_ =	sdelay $0x1  }
0x99: {  	s4 =	simm.s32 $_scs_section_size  }
0x9a: {  	s5 =	simm.s32 $_size__tile_overlayer_lowered;
	s6 =	simm.s32 $_tile_overlayer_lowered  }
0x9b: {  	s22 =	simm.s32 $0x1BFF;
	s21 =	sshll.u32 s6, $0x1;
	s3 =	sadd.s32 s4, s19  }
0x9c: {  	s7 =	simm.s32 $0x0;
	s20 =	sshll.u32 s5, $0x1;
	s5 =	sadd.s32 s21, s3  }
0x9d: {  	[timem:s7], [sflag:s22] =	dma.local [hbm:s5], s20  }
0x9e: {  	_ =	swait.ge [sflag:s22], s20  }
0x9f: {  	s4 =	ssub.s32 $0x0, s20;
	[sflag:s22] =	ssyncset.done $0x0  }
0xa0: {  	[sflag:s22] =	ssyncadd.s32 s4;
	_ =	sdelay $0x1  }
0xa1: {  	s23 =	simm.s32 $0x1B8B  }
0xa2: {  	_ =	swait.ge [sflag:s23], $0x1  }
0xa3: {  	[sflag:s23] =	ssyncset.done $0x0  }
0xa4: {  	s25 =	simm.s32 $0x1B8E;
	s24 =	sld [smem:$0x3FFE];
	[sflag:s23] =	ssyncadd.s32 $0xFFFFFFFF  }
0xa5: {  	s26 =	simm.s32 $execute0_lowered;
	[smem:$0x3FD2] =	sst s25  }
0xa6: {  	s5 =	sshll.u32 s26, $0x1;
	_ =	strace $0x80000046;
	[dreg:$0x1] =	wrdreg $0xFFFFFFFF  }
0xa7: {  	s28 =	simm.s32 $_size_execute0_lowered;
	s3 =	sadd.s32 s3, s5;
	[dreg:$0x0] =	wrdreg $0x0  }
0xa8: {  	s5 =	sshll.u32 s28, $0x1;
	[dreg:$0x2] =	wrdreg s3  }
0xa9: {  	[dreg:$0x3] =	wrdreg s5  }
0xaa: {  	[dreg:$0x4] =	wrdreg $0xC0  }
0xab: {  	_ =	task [dreg:s7], $0x5FFFF  }
0xac: {  	[dreg:$0x1] =	wrdreg $0xFFFFFFFF  }
0xad: {  	[dreg:$0x0] =	wrdreg $0x60  }
0xae: {  	[dreg:$0x2] =	wrdreg s24  }
0xaf: {  	[dreg:$0x3] =	wrdreg s2  }
0xb0: {  	[dreg:$0x4] =	wrdreg $0x9  }
0xb1: {  	_ =	task.clear_ibuf [dreg:s7], $0x5FFFF;
	_ =	strace $0x90000046  }
0xb2: {  	s29 =	simm.s32 $0x9;
	_ =	strace $0x80000048  }
0xb3: {  	_ =	swait.ge [sflag:s29], $0x1  }
0xb4: {  	[sflag:s29] =	ssyncadd.s32 $0xFFFFFFFF  }
0xb5: {  	_ =	strace $0x90000048  }
0xb6: {  	_ =	sfence  }
0xb7: {  	s30 =	sld [smem:$0x0];
	_ =	sdelay $0x2  }
0xb8: {  	s31 =	sshll.u32 s1, $0xD;
	s1 =	sshrl.u32 s1, $0x2  }
0xb9: {  	s3 =	sand.u32 $0x4000, s31;
	s1 =	sadd.s32 s1, s30  }
0xba: {  	s0 =	sor.u32 s3, s0;
	s1 =	sshll.u32 s1, $0x11  }
0xbb: {  	s0 =	sor.u32 s1, s0  }
0xbc: {  	s0 =	sadd.s32 $0x8F2B, s0  }
0xbd: {  	[sflag:s0] =	ssyncadd.remote.s32 $0x1  }
0xbe: {  	_ =	sfence.sel $0xFFFF  }
0xbf: {  	[dreg:$0x0] =	wrdreg $0xFFFFFFFF;
	(pc) =	sbr.abs _section_cstart, $3  }
0xc0: {  	[dreg:$0x1] =	wrdreg $0xFFFFFFFF  }
0xc1: {  	_ =	task.clear_ibuf [dreg:s7], $0x2FFFF;
	_ =	strace $0x9FFFFFFF  }
0xc2: {  	(tm) =	ssettm $0x7FFFFFFF  }
0xc3: {  	_ =	shalt  }
tec
execute0_lowered:
.L_overlay_start_1:
0x0: {  	(tag) =	ssettag $0x1  }
0x1: {  	s0 =	srdreg.scid;
	s5 =	rddreg [dreg:$0x0]  }
0x2: {  	s1 =	stileid.u32;
	s2 =	rddreg [dreg:$0x1]  }
0x3: {  	s4 =	simm.s32 $0x0;
	s12 =	simm.s32 $0x6;
	s13 =	simm.s32 $0x80  }
0x4: {  	s17 =	simm.s32 $0x9900;
	s18 =	simm.s32 $0x180;
	s19 =	simm.s32 $0xD900  }
0x5: {  	s20 =	simm.s32 $0x200;
	s21 =	simm.s32 $0x11900;
	s22 =	simm.s32 $0x1  }
0x6: {  	s23 =	simm.s32 $0x2;
	s0 =	sand.u32 $0x1, s0;
	s1 =	sshll.u32 s1, $0x1  }
0x7: {  	s24 =	simm.s32 $0x3;
	s25 =	simm.s32 $0x4;
	s1 =	sor.u32 s0, s1  }
0x8: {  	s26 =	simm.s32 $0x5;
	s0 =	ssub.s32 $0x2, s0;
	s3 =	smul.u32 $0x1900, s1  }
.Ltmp0:
0x9: {  	[smem:$0x7FF] =	sst s4;
	s6 =	sshrl.u32 s0, $0x1;
	(pc) =	sbr.rel .LBB2_1-.Ltmp0, $4  }
0xa: {  	s28 =	simm.s32 $0x0;
	_ =	strace $0x80000047;
	s0 =	ssub.s32 s0, s6  }
0xb: {  	s1 =	sshrl.u32 s3, $0x3;
	s7 =	sor.u32 $0x80, s3;
	s8 =	sadd.s32 $0x100, s3  }
0xc: {  	s9 =	sadd.s32 $0x180, s3;
	s10 =	sadd.s32 $0x200, s3;
	s1 =	sadd.s32 s1, s5  }
0xd: {  	s11 =	smax.u32 s0, $0x1;
	s5 =	sadd.s32 $0x6C00, s5;
	s6 =	sadd.s32 $0x800, s1  }
.LBB2_14:
0xe: {  	s28 =	sadd.s32 $0x1, s28  }
0xf: {  	p0 =	sne.s32 s28, s11  }
.Ltmp1:
0x10: {  	_ = 	snop;
	(pc) =	sbr.rel @!p0 .LBB2_15-.Ltmp1, $1  }
0x11: {  	_ =	sdelay $0x3  }
.LBB2_1:
0x12: {  	[tilespmem:s4], [sflag:$0x6] =	stream.linear.gather [hbm4b:s6+s4], $0x1900, $0x38;
	[tilespmem:$0x15900] =	vst v63  }
0x13: {  	_ =	swait.ge [sflag:s12], $0x1900  }
0x14: {  	[sflag:s12] =	ssyncset.done $0x0  }
0x15: {  	s0 =	simm.s32 $0x1900;
	[sflag:s12] =	ssyncadd.s32 $0xFFFFE700  }
0x16: {  	[tilespmem:s0], [sflag:$0x1] =	stream.indirect.gather [hbm4b:s5+s13], $0x80, s4, s13, $0xb8;
	[tilespmem:$0x15900] =	vst v63  }
0x17: {  	s30 =	simm.s32 $0x5900  }
0x18: {  	[tilespmem:s30], [sflag:$0x2] =	stream.indirect.gather [hbm4b:s5+s13], $0x80, s13, s13, $0xb8;
	[tilespmem:$0x15900] =	vst v63  }
0x19: {  	s31 =	simm.s32 $0x100  }
0x1a: {  	[tilespmem:s17], [sflag:$0x3] =	stream.indirect.gather [hbm4b:s5+s13], $0x80, s31, s13, $0xb8;
	[tilespmem:$0x15900] =	vst v63  }
0x1b: {  	_ = 	snop  }
0x1c: {  	[tilespmem:s19], [sflag:$0x4] =	stream.indirect.gather [hbm4b:s5+s13], $0x80, s18, s13, $0xb8;
	[tilespmem:$0x15900] =	vst v63  }
0x1d: {  	s29 =	simm.s32 $0x0  }
0x1e: {  	[tilespmem:s21], [sflag:$0x5] =	stream.indirect.gather [hbm4b:s5+s13], $0x80, s20, s13, $0xb8;
	[tilespmem:$0x15900] =	vst v63  }
.LBB2_2:
0x1f: {  	s30 =	smul.u32 $0x280, s29;
	_ =	sdelay $0x1  }
0x20: {  	s0 =	sadd.s32 s3, s30  }
0x21: {  	_ =	swait.ge [sflag:s22], $0x4000;
	s1 =	simm.s32 $0x1900;
	s0 =	sshll.u32 s0, $0x3  }
0x22: {  	s14 =	simm.s32 $0x1980;
	[sflag:s22] =	ssyncset.done $0x0;
	s31 =	sadd.s32 s2, s0  }
0x23: {  	[sflag:s22] =	ssyncadd.s32 $0xFFFFC000;
	s0 =	simm.s32 $0x8;
	s15 =	sadd.s32 $0x0, s31  }
.LBB2_3:
0x24: {  	[hbm4b:s15+s4] =	stream.linear.scatter [tilespmem:s1], [sflag:$0x6], $0x40, $0x38;
	[tilespmem:$0x15900] =	vst v63  }
0x25: {  	s15 =	smov.u32 s0;
	s1 =	smov.u32 s14;
	p0 =	sne.s32 s0, $0x3F8  }
.Ltmp2:
0x26: {  	s0 =	sadd.s32 $0x8, s0;
	(pc) =	sbr.rel @p0 .LBB2_3-.Ltmp2, $2  }
0x27: {  	_ =	sdelay $0x2  }
0x28: {  	s14 =	sadd.s32 $0x80, s14;
	s15 =	sadd.s32 s15, s31  }
0x29: {  	[hbm4b:s15+s4] =	stream.linear.scatter [tilespmem:s1], [sflag:$0x6], $0x40, $0x38;
	[tilespmem:$0x15900] =	vst v63  }
0x2a: {  	p0 =	seq.s32 s29, $0x9  }
0x2b: {  	s0 =	smul.u32 @!p0 $0xA00, s29  }
0x2c: {  	s16 =	sadd.s32 s30, s7;
	_ =	swait.ge [sflag:s12], $0x2000  }
0x2d: {  	s1 =	simm.s32 @!p0 $0x80;
	[sflag:s12] =	ssyncset.done $0x0;
	s31 =	sshra.s32 @!p0 s0, $0x2  }
0x2e: {  	s14 =	simm.s32 @!p0 $0x1900;
	[sflag:s12] =	ssyncadd.s32 $0xFFFFE000;
	s0 =	sadd.s32 @!p0 $0x280, s31  }
0x2f: {  	[tilespmem:s14], [sflag:$0x1] =	stream.indirect.gather @!p0 [hbm4b:s5+s1], $0x80, s0, s1, $0xb8;
	[tilespmem:$0x15900] =	vst v63  }
0x30: {  	s0 =	sshll.u32 s16, $0x3  }
0x31: {  	s15 =	simm.s32 $0x5980;
	_ =	swait.ge [sflag:s23], $0x4000;
	s0 =	sand.u32 $0x1FFFFC00, s0  }
0x32: {  	s14 =	simm.s32 $0x8;
	[sflag:s23] =	ssyncset.done $0x0;
	s1 =	sadd.s32 s2, s0  }
0x33: {  	s0 =	simm.s32 $0x5900;
	[sflag:s23] =	ssyncadd.s32 $0xFFFFC000;
	s16 =	sadd.s32 $0x0, s1  }
.LBB2_5:
0x34: {  	[hbm4b:s16+s4] =	stream.linear.scatter [tilespmem:s0], [sflag:$0x6], $0x40, $0x38;
	[tilespmem:$0x15900] =	vst v63  }
0x35: {  	s16 =	smov.u32 s14;
	s0 =	smov.u32 s15;
	p1 =	sne.s32 s14, $0x3F8  }
.Ltmp3:
0x36: {  	s14 =	sadd.s32 $0x8, s14;
	(pc) =	sbr.rel @p1 .LBB2_5-.Ltmp3, $2  }
0x37: {  	_ =	sdelay $0x2  }
0x38: {  	s15 =	sadd.s32 $0x80, s15;
	s16 =	sadd.s32 s16, s1  }
0x39: {  	[hbm4b:s16+s4] =	stream.linear.scatter [tilespmem:s0], [sflag:$0x6], $0x40, $0x38;
	[tilespmem:$0x15900] =	vst v63  }
0x3a: {  	_ =	swait.ge [sflag:s12], $0x2000  }
0x3b: {  	s0 =	sadd.s32 @!p0 $0x300, s31;
	s1 =	simm.s32 @!p0 $0x80;
	[sflag:s12] =	ssyncset.done $0x0  }
0x3c: {  	s14 =	simm.s32 @!p0 $0x5900;
	s16 =	sadd.s32 s30, s8;
	[sflag:s12] =	ssyncadd.s32 $0xFFFFE000  }
0x3d: {  	[tilespmem:s14], [sflag:$0x2] =	stream.indirect.gather @!p0 [hbm4b:s5+s1], $0x80, s0, s1, $0xb8;
	[tilespmem:$0x15900] =	vst v63  }
0x3e: {  	s0 =	sshll.u32 s16, $0x3  }
0x3f: {  	s15 =	simm.s32 $0x9980;
	_ =	swait.ge [sflag:s24], $0x4000;
	s0 =	sand.u32 $0x1FFFFC00, s0  }
0x40: {  	s14 =	simm.s32 $0x8;
	[sflag:s24] =	ssyncset.done $0x0;
	s1 =	sadd.s32 s2, s0  }
0x41: {  	s0 =	simm.s32 $0x9900;
	[sflag:s24] =	ssyncadd.s32 $0xFFFFC000;
	s16 =	sadd.s32 $0x0, s1  }
.LBB2_7:
0x42: {  	[hbm4b:s16+s4] =	stream.linear.scatter [tilespmem:s0], [sflag:$0x6], $0x40, $0x38;
	[tilespmem:$0x15900] =	vst v63  }
0x43: {  	s16 =	smov.u32 s14;
	s0 =	smov.u32 s15;
	p1 =	sne.s32 s14, $0x3F8  }
.Ltmp4:
0x44: {  	s14 =	sadd.s32 $0x8, s14;
	(pc) =	sbr.rel @p1 .LBB2_7-.Ltmp4, $2  }
0x45: {  	_ =	sdelay $0x2  }
0x46: {  	s15 =	sadd.s32 $0x80, s15;
	s16 =	sadd.s32 s16, s1  }
0x47: {  	[hbm4b:s16+s4] =	stream.linear.scatter [tilespmem:s0], [sflag:$0x6], $0x40, $0x38;
	[tilespmem:$0x15900] =	vst v63  }
0x48: {  	_ =	swait.ge [sflag:s12], $0x2000  }
0x49: {  	s0 =	sadd.s32 @!p0 $0x380, s31;
	s1 =	simm.s32 @!p0 $0x80;
	[sflag:s12] =	ssyncset.done $0x0  }
0x4a: {  	s14 =	simm.s32 @!p0 $0x9900;
	s16 =	sadd.s32 s30, s9;
	[sflag:s12] =	ssyncadd.s32 $0xFFFFE000  }
0x4b: {  	[tilespmem:s14], [sflag:$0x3] =	stream.indirect.gather @!p0 [hbm4b:s5+s1], $0x80, s0, s1, $0xb8;
	[tilespmem:$0x15900] =	vst v63  }
0x4c: {  	s0 =	sshll.u32 s16, $0x3  }
0x4d: {  	s15 =	simm.s32 $0xD980;
	_ =	swait.ge [sflag:s25], $0x4000;
	s0 =	sand.u32 $0x1FFFFC00, s0  }
0x4e: {  	s14 =	simm.s32 $0x8;
	[sflag:s25] =	ssyncset.done $0x0;
	s1 =	sadd.s32 s2, s0  }
0x4f: {  	s0 =	simm.s32 $0xD900;
	[sflag:s25] =	ssyncadd.s32 $0xFFFFC000;
	s16 =	sadd.s32 $0x0, s1  }
.LBB2_9:
0x50: {  	[hbm4b:s16+s4] =	stream.linear.scatter [tilespmem:s0], [sflag:$0x6], $0x40, $0x38;
	[tilespmem:$0x15900] =	vst v63  }
0x51: {  	s16 =	smov.u32 s14;
	s0 =	smov.u32 s15;
	p1 =	sne.s32 s14, $0x3F8  }
.Ltmp5:
0x52: {  	s14 =	sadd.s32 $0x8, s14;
	(pc) =	sbr.rel @p1 .LBB2_9-.Ltmp5, $2  }
0x53: {  	_ =	sdelay $0x2  }
0x54: {  	s15 =	sadd.s32 $0x80, s15;
	s16 =	sadd.s32 s16, s1  }
0x55: {  	[hbm4b:s16+s4] =	stream.linear.scatter [tilespmem:s0], [sflag:$0x6], $0x40, $0x38;
	[tilespmem:$0x15900] =	vst v63  }
0x56: {  	_ =	swait.ge [sflag:s12], $0x2000  }
0x57: {  	s0 =	sadd.s32 @!p0 $0x400, s31;
	s1 =	simm.s32 @!p0 $0x80;
	[sflag:s12] =	ssyncset.done $0x0  }
0x58: {  	s14 =	simm.s32 @!p0 $0xD900;
	s31 =	sadd.s32 s30, s10;
	[sflag:s12] =	ssyncadd.s32 $0xFFFFE000  }
0x59: {  	[tilespmem:s14], [sflag:$0x4] =	stream.indirect.gather @!p0 [hbm4b:s5+s1], $0x80, s0, s1, $0xb8;
	[tilespmem:$0x15900] =	vst v63  }
0x5a: {  	s0 =	sshll.u32 s31, $0x3  }
0x5b: {  	s15 =	simm.s32 $0x11980;
	_ =	swait.ge [sflag:s26], $0x4000;
	s0 =	sand.u32 $0x1FFFFC00, s0  }
0x5c: {  	s14 =	simm.s32 $0x8;
	[sflag:s26] =	ssyncset.done $0x0;
	s1 =	sadd.s32 s2, s0  }
0x5d: {  	s0 =	simm.s32 $0x11900;
	[sflag:s26] =	ssyncadd.s32 $0xFFFFC000;
	s16 =	sadd.s32 $0x0, s1  }
.LBB2_11:
0x5e: {  	[hbm4b:s16+s4] =	stream.linear.scatter [tilespmem:s0], [sflag:$0x6], $0x40, $0x38;
	[tilespmem:$0x15900] =	vst v63  }
0x5f: {  	s16 =	smov.u32 s14;
	s0 =	smov.u32 s15;
	p1 =	sne.s32 s14, $0x3F8  }
.Ltmp6:
0x60: {  	s14 =	sadd.s32 $0x8, s14;
	(pc) =	sbr.rel @p1 .LBB2_11-.Ltmp6, $2  }
0x61: {  	_ =	sdelay $0x2  }
0x62: {  	s15 =	sadd.s32 $0x80, s15;
	s16 =	sadd.s32 s16, s1  }
.Ltmp7:
0x63: {  	(pc) =	sbr.rel @p0 .LBB2_14-.Ltmp7, $4  }
0x64: {  	[hbm4b:s16+s4] =	stream.linear.scatter [tilespmem:s0], [sflag:$0x6], $0x40, $0x38;
	[tilespmem:$0x15900] =	vst v63  }
0x65: {  	_ =	swait.ge [sflag:s12], $0x2000  }
0x66: {  	[sflag:s12] =	ssyncset.done $0x0  }
0x67: {  	[sflag:s12] =	ssyncadd.s32 $0xFFFFE000  }
0x68: {  	s0 =	smul.u32 $0xA00, s29  }
.Ltmp8:
0x69: {  	_ = 	snop;
	(pc) =	sbr.rel .LBB2_2-.Ltmp8, $4  }
0x6a: {  	_ = 	snop  }
0x6b: {  	s0 =	sshra.s32 s0, $0x2  }
0x6c: {  	s29 =	sadd.s32 $0x1, s29;
	s0 =	sadd.s32 $0x480, s0  }
0x6d: {  	[tilespmem:s21], [sflag:$0x5] =	stream.indirect.gather [hbm4b:s5+s13], $0x80, s0, s13, $0xb8;
	[tilespmem:$0x15900] =	vst v63  }
.LBB2_15:
0x6e: {  	_ =	sfence.sel $0x180000  }
0x6f: {  	[bflag:$0x0] =	sbarrier.arrive $0xFFFF  }
0x70: {  	_ =	strace $0x90000047  }
0x71: {  	s0 =	stileid.u32;
	[bflag:$0x2] =	sbarrier.arrive $0xFFFF  }
0x72: {  	p0 =	sne.s32 s0, $0x0;
	s0 =	rddreg [dreg:$0x2]  }
0x73: {  	s0 =	sadd.s32 @!p0 $0x100000, s0  }
0x74: {  	[sflag:s0] =	ssyncadd.tile.s32 @!p0 $0x1;
	_ =	shalt  }
.Lfunc_end2:
_tile_overlayer_lowered:
.L_overlay_start_2:
0x75: {  	(tag) =	ssettag $0x2  }
0x76: {  	s0 =	rddreg [dreg:$0x0];
	s2 =	stileid.u32  }
0x77: {  	s1 =	rddreg [dreg:$0x1];
	p0 =	sne.s32 s2, $0x0  }
0x78: {  	s3 =	rddreg [dreg:$0x2];
	[bflag:$0x3] =	sbarrier.arrive $0xFFFF;
	s2 =	simm.s32 @!p0 $0x1C06  }
0x79: {  	[timem:s3], [sflag:s2] =	dma.local @!p0 [hbm:s0], s1  }
0x7a: {  	s0 =	simm.s32 @!p0 $0x6  }
0x7b: {  	_ =	swait.ge @!p0 [sflag:s0], s1  }
0x7c: {  	s1 =	ssub.s32 @!p0 $0x0, s1;
	[sflag:s0] =	ssyncset.done @!p0 $0x0  }
0x7d: {  	[sflag:s0] =	ssyncadd.s32 @!p0 s1  }
0x7e: {  	[bflag:$0x3] =	sbarrier.arrive $0xFFFF  }
0x7f: {  	_ =	shalt  }

// kernel: sparse-core-data-format-call.cloned.1.call-start
scs
called_computation_lowered:
.L_overlay_start_0:
0x0: {  	s2 =	sld [smem:$0x3FD9]  }
0x1: {  	s3 =	sld [smem:$0x3FFE];
	_ =	sdelay $0x1  }
0x2: {  	s1 =	srdreg.scid  }
0x3: {  	s0 =	sand.u32 $0x1, s1  }
0x4: {  	s18 =	sshll.u32 s0, $0xA;
	s2 =	sadd.s32 s3, s2  }
0x5: {  	s2 =	sadd.s32 s2, s18  }
0x6: {  	[smem:$0x3FC6] =	sst s2  }
0x7: {  	_ = 	snop  }
0x8: {  	s2 =	sld [smem:$0x3FD0];
	(tm) =	ssettm $0x1  }
0x9: {  	s19 =	sld [smem:$0x3FFB];
	_ =	sdelay $0x3  }
0xa: {  	_ =	strace s19  }
0xb: {  	s3 =	sld [smem:$0x3FFC];
	_ =	sdelay $0x3  }
0xc: {  	_ =	strace s3  }
0xd: {  	s3 =	sld [smem:$0x3FFD];
	_ =	sdelay $0x3  }
0xe: {  	_ =	strace s3  }
0xf: {  	_ =	strace $0x8FFFFFFF  }
0x10: {  	s20 =	sld [smem:$0x3FDB];
	_ =	sdelay $0x1  }
0x11: {  	s4 =	simm.s32 $_scs_section_size  }
0x12: {  	s5 =	simm.s32 $_size__tile_overlayer_lowered;
	s6 =	simm.s32 $_tile_overlayer_lowered  }
0x13: {  	s23 =	simm.s32 $0x1BFF;
	s22 =	sshll.u32 s6, $0x1;
	s3 =	sadd.s32 s4, s20  }
0x14: {  	s7 =	simm.s32 $0x0;
	s21 =	sshll.u32 s5, $0x1;
	s5 =	sadd.s32 s22, s3  }
0x15: {  	[timem:s7], [sflag:s23] =	dma.local [hbm:s5], s21  }
0x16: {  	_ =	swait.ge [sflag:s23], s21  }
0x17: {  	s4 =	ssub.s32 $0x0, s21;
	[sflag:s23] =	ssyncset.done $0x0  }
0x18: {  	[sflag:s23] =	ssyncadd.s32 s4;
	_ =	sdelay $0x1  }
0x19: {  	s24 =	simm.s32 $0x1B8B  }
0x1a: {  	_ =	swait.ge [sflag:s24], $0x1  }
0x1b: {  	[sflag:s24] =	ssyncset.done $0x0  }
0x1c: {  	s26 =	simm.s32 $0x1B8E;
	s25 =	sld [smem:$0x3FFE];
	[sflag:s24] =	ssyncadd.s32 $0xFFFFFFFF  }
0x1d: {  	s27 =	simm.s32 $execute0_lowered;
	[smem:$0x3FD2] =	sst s26  }
0x1e: {  	s5 =	sshll.u32 s27, $0x1;
	_ =	strace $0x80000049;
	[dreg:$0x1] =	wrdreg $0xFFFFFFFF  }
0x1f: {  	s28 =	simm.s32 $_size_execute0_lowered;
	s3 =	sadd.s32 s3, s5;
	[dreg:$0x0] =	wrdreg $0x0  }
0x20: {  	s5 =	sshll.u32 s28, $0x1;
	[dreg:$0x2] =	wrdreg s3  }
0x21: {  	[dreg:$0x3] =	wrdreg s5  }
0x22: {  	[dreg:$0x4] =	wrdreg $0xC0  }
0x23: {  	_ =	task [dreg:s7], $0x5FFFF  }
0x24: {  	[dreg:$0x1] =	wrdreg $0xFFFFFFFF  }
0x25: {  	[dreg:$0x0] =	wrdreg $0x60  }
0x26: {  	[dreg:$0x2] =	wrdreg s25  }
0x27: {  	[dreg:$0x3] =	wrdreg s2  }
0x28: {  	[dreg:$0x4] =	wrdreg $0x9  }
0x29: {  	_ =	task.clear_ibuf [dreg:s7], $0x5FFFF;
	_ =	strace $0x90000049  }
0x2a: {  	s29 =	simm.s32 $0x9;
	_ =	strace $0x8000004B  }
0x2b: {  	_ =	swait.ge [sflag:s29], $0x1  }
0x2c: {  	[sflag:s29] =	ssyncadd.s32 $0xFFFFFFFF  }
0x2d: {  	_ =	strace $0x9000004B  }
0x2e: {  	_ =	sfence  }
0x2f: {  	s30 =	sld [smem:$0x0];
	_ =	sdelay $0x2  }
0x30: {  	s31 =	sshll.u32 s1, $0xD;
	s1 =	sshrl.u32 s1, $0x2  }
0x31: {  	s3 =	sand.u32 $0x4000, s31;
	s1 =	sadd.s32 s1, s30  }
0x32: {  	s0 =	sor.u32 s3, s0;
	s1 =	sshll.u32 s1, $0x11  }
0x33: {  	s0 =	sor.u32 s1, s0  }
0x34: {  	s0 =	sadd.s32 $0x8F2B, s0  }
0x35: {  	[sflag:s0] =	ssyncadd.remote.s32 $0x1  }
0x36: {  	_ =	sfence.sel $0xFFFF  }
0x37: {  	[dreg:$0x0] =	wrdreg $0xFFFFFFFF;
	(pc) =	sbr.abs _section_cstart, $3  }
0x38: {  	[dreg:$0x1] =	wrdreg $0xFFFFFFFF  }
0x39: {  	_ =	task.clear_ibuf [dreg:s7], $0x2FFFF;
	_ =	strace $0x9FFFFFFF  }
0x3a: {  	(tm) =	ssettm $0x7FFFFFFF  }
0x3b: {  	_ =	shalt  }
tec
execute0_lowered:
.L_overlay_start_1:
0x0: {  	(tag) =	ssettag $0x1  }
0x1: {  	s0 =	srdreg.scid  }
0x2: {  	s1 =	sshll.u32 s0, $0x4  }
0x3: {  	s0 =	stileid.u32;
	s1 =	sand.u32 $0x10, s1  }
0x4: {  	s1 =	sor.u32 s0, s1  }
0x5: {  	s6 =	rddreg [dreg:$0x0];
	s4 =	simm.s32 $0x1;
	s2 =	sshll.u32 s1, $0x7  }
0x6: {  	s7 =	simm.s32 $0x2;
	s12 =	simm.s32 $0x0;
	s1 =	ssub.s32 $0x1000, s2  }
0x7: {  	s8 =	simm.s32 $0x8000;
	s13 =	simm.s32 $0x0;
	s3 =	sand.u32 $0xF80, s1  }
0x8: {  	s9 =	simm.s32 $0x0;
	s5 =	sshrl.u32 s1, $0xC;
	p0 =	sne.s32 s3, $0x0  }
.Ltmp0:
0x9: {  	s1 =	rddreg [dreg:$0x2];
	s4 =	simm.s32 @!p0 $0x0;
	(pc) =	sbr.rel .LBB1_1-.Ltmp0, $4  }
0xa: {  	s11 =	simm.s32 $0x0;
	s3 =	rddreg [dreg:$0x1];
	s5 =	sadd.s32 s4, s5  }
0xb: {  	_ =	strace $0x8000004A;
	s4 =	simm.s32 $0x1;
	s5 =	smul.u32 $0x32, s5  }
0xc: {  	s6 =	sadd.s32 $0x800, s6;
	s10 =	smov.u32 s2;
	[sflag:s4] =	ssyncpa.u1 $0x0  }
0xd: {  	p0 =	por $0x0, $0x0;
	[sflag:s7] =	ssyncpa.u1 $0x0;
	s7 =	sor.u32 $0x1, s5  }
.LBB1_4:
0xe: {  	s16 =	sshll.u32 s13, $0x3;
	s17 =	sand.u32 $0x78, s13  }
0xf: {  	s30 =	sand.u32 $0x7E00, s13;
	s12 =	sshll.u32 s12, $0xF;
	s16 =	sand.u32 $0xC00, s16  }
0x10: {  	[tilespmem:s15+$0x810 ss:$0x81] =	vst.msk $0xffff, v2;
	s31 =	sand.u32 $0x7, s13;
	s16 =	sor.u32 s17, s16;
	s17 =	sadd.s32 s3, s30  }
0x11: {  	[tilespmem:s15+$0x1020 ss:$0x81] =	vst.msk $0xffff, v0;
	s13 =	sshll.u32 s31, $0x12;
	s12 =	sadd.s32 s12, s17;
	s16 =	sshrl.u32 s16, $0x3  }
0x12: {  	[tilespmem:s15+$0x0 ss:$0x81] =	vst.msk $0xffff, v1;
	s13 =	sor.u32 $0x400, s13;
	s12 =	sadd.s32 s16, s12  }
0x13: {  	[hbm4b:s12+s13] =	stream.strided.scatter [tilespmem:s14], [sflag:$0x2], $0x2000, s8, s13, $0x20;
	[tilespmem:$0x8080] =	vst v63  }
.LBB1_5:
0x14: {  	s14 =	sadd.s32 $0x1, s9  }
0x15: {  	s12 =	sadd.s32 $0x1000, s10;
	s16 =	smov.u32 s10;
	p2 =	sgt.s32 s14, $0x31  }
0x16: {  	s16 =	smov.u32 @p2 s12  }
0x17: {  	s14 =	simm.s32 @p2 $0x0;
	p2 =	sgt.s32 s16, $0xFFF  }
0x18: {  	s16 =	smov.u32 @p2 s2;
	p2 =	sne.s32 s11, s7  }
.Ltmp1:
0x19: {  	p1 =	slt.u32 s11, $0x2;
	(pc) =	sbr.rel @!p2 .LBB1_6-.Ltmp1, $4  }
0x1a: {  	s15 =	simm.s32 @!p1 $0x2  }
0x1b: {  	s13 =	smov.u32 s10;
	p0 =	por !p0, !p0;
	_ =	swait.ge @!p1 [sflag:s15], $0x2000  }
0x1c: {  	s12 =	smov.u32 s9;
	[sflag:s15] =	ssyncset.done @!p1 $0x0;
	s9 =	smov.u32 s14  }
0x1d: {  	s11 =	sadd.s32 $0x1, s11;
	[sflag:s15] =	ssyncadd.s32 @!p1 $0xFFFFE000;
	s10 =	smov.u32 s16  }
.LBB1_1:
0x1e: {  	p1 =	sge.u32 s11, s5  }
0x1f: {  	s14 =	sand.u32 @!p1 $0x1FFFFFF, s9  }
0x20: {  	s15 =	smulhi.u32 @!p1 $0x4924925, s14;
	_ =	sdelay $0x1  }
0x21: {  	s15 =	smul.u32 @!p1 $0x38, s15  }
0x22: {  	s16 =	sxor.u32 @!p1 $0xFFFFFFFF, s11;
	s17 =	smul.u32 @!p1 $0x380, s10  }
0x23: {  	s31 =	sadd.s32 $0xFFFFFFFF, s11;
	s16 =	sshll.u32 @!p1 s16, $0xD;
	s14 =	ssub.s32 @!p1 s14, s15  }
0x24: {  	s15 =	sand.u32 @!p1 $0x2000, s16;
	s16 =	sadd.s32 @!p1 s6, s17;
	s14 =	sshll.u32 @!p1 s14, $0x4  }
0x25: {  	s17 =	simm.s32 @!p1 $0x1C00;
	s14 =	sadd.s32 @!p1 s14, s16;
	s16 =	simm.s32 @!p1 $0x40  }
0x26: {  	[tilespmem:s15], [sflag:$0x1] =	stream.strided.gather @!p1 [hbm4b:s14+s16], $0x2000, s17, s16, $0x38;
	[tilespmem:$0x8080] =	vst v63  }
0x27: {  	p1 =	sge.u32 s31, s5  }
.Ltmp2:
0x28: {  	_ = 	snop;
	(pc) =	sbr.rel @p1 .LBB1_5-.Ltmp2, $1  }
0x29: {  	_ =	sdelay $0x3  }
0x2a: {  	s14 =	simm.s32 $0x1  }
0x2b: {  	_ =	swait.ge [sflag:s4], $0x2000;
	s14 =	simm.s32 @!p0 $0x0  }
0x2c: {  	[sflag:s4] =	ssyncset.done $0x0;
	s15 =	sshll.u32 s14, $0xD  }
0x2d: {  	[sflag:s4] =	ssyncadd.s32 $0xFFFFE000;
	s18 =	sor.u32 $0x20, s15  }
0x2e: {  	s14 =	smul.u32 $0x8100, s14;
	v3 =	vld [tilespmem:s18+$0x10]  }
0x2f: {  	s30 =	sand.u32 $0x1, s11;
	v2 =	vld [tilespmem:s18+$0xFFFFFFF0]  }
0x30: {  	s15 =	smul.u32 $0x8100, s30;
	s14 =	sshrl.u32 s14, $0x2;
	v0 =	vld [tilespmem:s18+$0x0]  }
0x31: {  	v1 =	vld [tilespmem:s18+$0xFFFFFFE0];
	s16 =	sor.u32 $0x4000, s14  }
0x32: {  	s31 =	sshrl.u32 s15, $0x2;
	s15 =	sadd.s32 $0x0, s16  }
0x33: {  	s17 =	simm.s32 $0x4;
	s18 =	sadd.s32 $0x40, s18;
	s14 =	sor.u32 $0x4000, s31;
	[tilespmem:s15+$0x1830 ss:$0x81] =	vst.msk $0xffff, v3  }
.LBB1_3:
0x34: {  	v3 =	vld [tilespmem:s18+$0x10];
	p1 =	sne.s32 s17, $0x1FC;
	[tilespmem:s15+$0x810 ss:$0x81] =	vst.msk $0xffff, v2;
	s19 =	smov.u32 s17;
	s17 =	sadd.s32 $0x4, s17  }
.Ltmp3:
0x35: {  	v2 =	vld [tilespmem:s18+$0xFFFFFFF0];
	[tilespmem:s15+$0x1020 ss:$0x81] =	vst.msk $0xffff, v0;
	(pc) =	sbr.rel @p1 .LBB1_3-.Ltmp3, $4  }
0x36: {  	v0 =	vld [tilespmem:s18+$0x0];
	[tilespmem:s15+$0x0 ss:$0x81] =	vst.msk $0xffff, v1  }
0x37: {  	s15 =	sshra.s32 s19, $0x2;
	v1 =	vld [tilespmem:s18+$0xFFFFFFE0]  }
0x38: {  	s15 =	sadd.s32 s15, s16  }
0x39: {  	s18 =	sadd.s32 $0x40, s18;
	[tilespmem:s15+$0x1830 ss:$0x81] =	vst.msk $0xffff, v3  }
.Ltmp4:
0x3a: {  	_ = 	snop;
	(pc) =	sbr.rel .LBB1_4-.Ltmp4, $1  }
0x3b: {  	_ =	sdelay $0x3  }
.LBB1_6:
0x3c: {  	_ =	sfence.sel $0x180000  }
0x3d: {  	s2 =	simm.s32 $0x1;
	[bflag:$0x0] =	sbarrier.arrive $0xFFFF  }
0x3e: {  	s31 =	simm.s32 $0x2;
	[sflag:s2] =	ssyncpa.u1 $0x1  }
0x3f: {  	[sflag:s31] =	ssyncpa.u1 $0x1  }
0x40: {  	p0 =	sne.s32 s0, $0x0;
	_ =	strace $0x9000004A  }
0x41: {  	s0 =	sadd.s32 @!p0 $0x100000, s1;
	[bflag:$0x2] =	sbarrier.arrive $0xFFFF  }
0x42: {  	[sflag:s0] =	ssyncadd.tile.s32 @!p0 $0x1;
	_ =	shalt  }
.Lfunc_end1:
_tile_overlayer_lowered:
.L_overlay_start_2:
0x43: {  	(tag) =	ssettag $0x2  }
0x44: {  	s0 =	rddreg [dreg:$0x0];
	s2 =	stileid.u32  }
0x45: {  	s1 =	rddreg [dreg:$0x1];
	p0 =	sne.s32 s2, $0x0  }
0x46: {  	s3 =	rddreg [dreg:$0x2];
	[bflag:$0x3] =	sbarrier.arrive $0xFFFF;
	s2 =	simm.s32 @!p0 $0x1C01  }
0x47: {  	[timem:s3], [sflag:s2] =	dma.local @!p0 [hbm:s0], s1  }
0x48: {  	s0 =	simm.s32 @!p0 $0x1  }
0x49: {  	_ =	swait.ge @!p0 [sflag:s0], s1  }
0x4a: {  	s1 =	ssub.s32 @!p0 $0x0, s1;
	[sflag:s0] =	ssyncset.done @!p0 $0x0  }
0x4b: {  	[sflag:s0] =	ssyncadd.s32 @!p0 s1  }
0x4c: {  	[bflag:$0x3] =	sbarrier.arrive $0xFFFF  }
0x4d: {  	_ =	shalt  }

</sc_bundles>
